<compile_context>
chip_gen: v7x
topology: tpu7x:2x2x1
jax: 0.10.2.dev20260603
libtpu: 0.0.44.dev20260713+nightly
codegen_flags: <defaults>
</compile_context>

<pallas_src>
import functools

import jax
import jax.numpy as jnp
from jax import lax
from jax.experimental import pallas as pl
from jax.experimental.pallas import tpu as pltpu
from jax.experimental.pallas import tpu_sc as plsc

NC = 2
NS = 16
NW = NC * NS
LANES = 16
CHUNK = 128


@functools.lru_cache(maxsize=None)
def _make_sc_kernel(B, D, b_per_w):
    assert D == 2 * LANES
    n_chunks = b_per_w // CHUNK
    mesh = plsc.VectorSubcoreMesh(core_axis_name="c", subcore_axis_name="s")

    @functools.partial(
        pl.kernel,
        out_type=jax.ShapeDtypeStruct((B,), jnp.float32),
        mesh=mesh,
        scratch_types=[
            pltpu.VMEM((n_chunks, CHUNK), jnp.int32),
            pltpu.VMEM((n_chunks, CHUNK), jnp.int32),
            pltpu.VMEM((b_per_w, D), jnp.bfloat16),
            pltpu.VMEM((b_per_w, D), jnp.bfloat16),
            pltpu.VMEM((b_per_w,), jnp.float32),
            pltpu.SemaphoreType.DMA,
            pltpu.SemaphoreType.DMA,
        ],
        compiler_params=pltpu.CompilerParams(
            needs_layout_passes=False, use_tc_tiling_on_sc=False),
    )
    def k(uids_hbm, iids_hbm, ut_hbm, it_hbm, out_hbm,
          uidx_v, iidx_v, urows_v, irows_v, out_v, sem_u, sem_i):
        wid = lax.axis_index("s") * NC + lax.axis_index("c")
        base = wid * b_per_w

        pltpu.sync_copy(uids_hbm.at[pl.ds(wid * n_chunks, n_chunks)], uidx_v)
        pltpu.sync_copy(iids_hbm.at[pl.ds(wid * n_chunks, n_chunks)], iidx_v)

        copies = []
        for j in range(n_chunks):
            copies.append(pltpu.async_copy(
                ut_hbm.at[uidx_v.at[j]],
                urows_v.at[pl.ds(j * CHUNK, CHUNK)], sem_u))
            copies.append(pltpu.async_copy(
                it_hbm.at[iidx_v.at[j]],
                irows_v.at[pl.ds(j * CHUNK, CHUNK)], sem_i))
        for c in copies:
            c.wait()

        lane = lax.iota(jnp.int32, LANES)

        def group(g, carry):
            def row(i, acc):
                j = g * LANES + i
                u0, u1 = plsc.unpack(
                    urows_v[j, :], format=plsc.PackFormat.INTERLEAVED)
                i0, i1 = plsc.unpack(
                    irows_v[j, :], format=plsc.PackFormat.INTERLEAVED)
                s = jnp.sum(u0 * i0 + u1 * i1)
                return jnp.where(lane == i, s, acc)
            acc = lax.fori_loop(0, LANES, row, jnp.zeros((LANES,), jnp.float32))
            out_v[pl.ds(g * LANES, LANES)] = acc
            return carry
        lax.fori_loop(0, b_per_w // LANES, group, 0)

        pltpu.sync_copy(out_v, out_hbm.at[pl.ds(base, b_per_w)])

    return k


def kernel(user_ids, item_ids, user_table, item_table):
    B = user_ids.shape[0]
    D = user_table.shape[1]
    b_per_w = B // NW
    k = _make_sc_kernel(B, D, b_per_w)
    uids2 = user_ids.reshape(B // CHUNK, CHUNK)
    iids2 = item_ids.reshape(B // CHUNK, CHUNK)
    return k(uids2, iids2, user_table.astype(jnp.bfloat16),
             item_table.astype(jnp.bfloat16))

# --- scband reference (transcript-rebuilt; emitter-appended) ---
"""Pipeline reference for scband-matrix-factorization-16123307229684 (READ-ONLY COPY).

The authoritative reference and input builder live on the scoring server;
editing this copy changes nothing except your own understanding.
"""

import jax, jax.numpy as jnp
import numpy as np

NUM_USERS = 1000000
NUM_ITEMS = 1000000
EMBED_DIM = 32
BATCH = 16384

def setup_inputs(seed: int = 0) -> dict:
    key = jax.random.key(seed)
    k1, k2, k3, k4 = jax.random.split(key, 4)
    user_ids = jax.random.randint(k1, (BATCH,), 0, NUM_USERS, dtype=jnp.int64 if jax.config.jax_enable_x64 else jnp.int32).astype(jnp.int32)
    item_ids = jax.random.randint(k2, (BATCH,), 0, NUM_ITEMS, dtype=jnp.int64 if jax.config.jax_enable_x64 else jnp.int32).astype(jnp.int32)
    user_table = jax.random.normal(k3, (NUM_USERS, EMBED_DIM), dtype=jnp.float32)
    item_table = jax.random.normal(k4, (NUM_ITEMS, EMBED_DIM), dtype=jnp.float32)
    return {"user_ids": user_ids, "item_ids": item_ids, "user_table": user_table, "item_table": item_table}

def reference(user_ids, item_ids, user_table, item_table):
    user_embedding = jnp.take(user_table, user_ids, axis=0)
    item_embedding = jnp.take(item_table, item_ids, axis=0)
    scores = jnp.sum(user_embedding * item_embedding, axis=1)
    return scores

if __name__ == "__main__":
    import jax
    _d = setup_inputs()
    print(jax.jit(kernel)(*tuple(_d.values())))

</pallas_src>

<mosaic_0001>
#map = affine_map<(d0, d1) -> (0, 0)>
#map1 = affine_map<(d0, d1) -> (0)>
module attributes {stable_mosaic.version = 14 : i64} {
  func.func @k(%arg0: i32, %arg1: i32, %arg2: memref<128x128xi32, #tpu.memory_space<hbm>>, %arg3: memref<128x128xi32, #tpu.memory_space<hbm>>, %arg4: memref<1000000x32xbf16, #tpu.memory_space<hbm>>, %arg5: memref<1000000x32xbf16, #tpu.memory_space<hbm>>, %arg6: memref<16384xf32, #tpu.memory_space<hbm>>, %arg7: memref<4x128xi32, #tpu.memory_space<vmem>>, %arg8: memref<4x128xi32, #tpu.memory_space<vmem>>, %arg9: memref<512x32xbf16, #tpu.memory_space<vmem>>, %arg10: memref<512x32xbf16, #tpu.memory_space<vmem>>, %arg11: memref<512xf32, #tpu.memory_space<vmem>>, %arg12: memref<!tpu.dma_semaphore, #tpu.memory_space<semaphore_mem>>, %arg13: memref<!tpu.dma_semaphore, #tpu.memory_space<semaphore_mem>>) attributes {dimension_semantics = [#tpu.dimension_semantics<core_parallel>, #tpu.dimension_semantics<subcore_parallel>], iteration_bounds = array<i64: 2, 16>, scalar_prefetch = 0 : i64, scratch_operands = 7 : i64, tpu.core_type = #tpu.core_type<sc_vector_subcore>, window_params = [{transform_indices = #map}, {transform_indices = #map}, {transform_indices = #map}, {transform_indices = #map}, {transform_indices = #map1}]} {
    %mul3A = arith.constant 2 : i32
    %mul3A_0 = arith.muli %arg1, %mul3A : i32
    %add3A = arith.addi %mul3A_0, %arg0 : i32
    %mul3A_1 = arith.constant 512 : i32
    %mul3A_2 = arith.muli %add3A, %mul3A_1 : i32
    %mul3A_3 = arith.constant 4 : i32
    %mul3A_4 = arith.muli %add3A, %mul3A_3 : i32
    "tpu.region"() ({
      %run_scoped3A = tpu.sem_alloc : memref<!tpu.dma_semaphore, #tpu.memory_space<semaphore_mem>>
      %dma_start3A_170 = arith.constant 0 : i32
      %dma_start3A_171 = tpu.memref_slice %arg2[%mul3A_4, %dma_start3A_170] : memref<128x128xi32, #tpu.memory_space<hbm>> -> memref<4x128xi32, #tpu.memory_space<hbm>>
      %dma_start3A_172 = arith.constant 0 : i32
      %dma_start3A_173 = tpu.memref_slice %arg2[%mul3A_4, %dma_start3A_172] : memref<128x128xi32, #tpu.memory_space<hbm>> -> memref<4x128xi32, #tpu.memory_space<hbm>>
      tpu.enqueue_dma source(%dma_start3A_173 : memref<4x128xi32, #tpu.memory_space<hbm>>) target(%arg7 : memref<4x128xi32, #tpu.memory_space<vmem>>) target_semaphore(%run_scoped3A : memref<!tpu.dma_semaphore, #tpu.memory_space<semaphore_mem>>)
      %dma_wait3A_174 = arith.constant 0 : i32
      %dma_wait3A_175 = tpu.memref_slice %arg2[%mul3A_4, %dma_wait3A_174] : memref<128x128xi32, #tpu.memory_space<hbm>> -> memref<4x128xi32, #tpu.memory_space<hbm>>
      %dma_wait3A_176 = arith.constant 0 : i32
      %dma_wait3A_177 = tpu.memref_slice %arg2[%mul3A_4, %dma_wait3A_176] : memref<128x128xi32, #tpu.memory_space<hbm>> -> memref<4x128xi32, #tpu.memory_space<hbm>>
      tpu.wait_dma2 semaphore(%run_scoped3A : memref<!tpu.dma_semaphore, #tpu.memory_space<semaphore_mem>>) src(%dma_wait3A_177 : memref<4x128xi32, #tpu.memory_space<hbm>>) dst(%arg7 : memref<4x128xi32, #tpu.memory_space<vmem>>)
      tpu.yield
    }) : () -> ()
    %mul3A_5 = arith.constant 4 : i32
    %mul3A_6 = arith.muli %add3A, %mul3A_5 : i32
    "tpu.region"() ({
      %run_scoped3A = tpu.sem_alloc : memref<!tpu.dma_semaphore, #tpu.memory_space<semaphore_mem>>
      %dma_start3A_170 = arith.constant 0 : i32
      %dma_start3A_171 = tpu.memref_slice %arg3[%mul3A_6, %dma_start3A_170] : memref<128x128xi32, #tpu.memory_space<hbm>> -> memref<4x128xi32, #tpu.memory_space<hbm>>
      %dma_start3A_172 = arith.constant 0 : i32
      %dma_start3A_173 = tpu.memref_slice %arg3[%mul3A_6, %dma_start3A_172] : memref<128x128xi32, #tpu.memory_space<hbm>> -> memref<4x128xi32, #tpu.memory_space<hbm>>
      tpu.enqueue_dma source(%dma_start3A_173 : memref<4x128xi32, #tpu.memory_space<hbm>>) target(%arg8 : memref<4x128xi32, #tpu.memory_space<vmem>>) target_semaphore(%run_scoped3A : memref<!tpu.dma_semaphore, #tpu.memory_space<semaphore_mem>>)
      %dma_wait3A_174 = arith.constant 0 : i32
      %dma_wait3A_175 = tpu.memref_slice %arg3[%mul3A_6, %dma_wait3A_174] : memref<128x128xi32, #tpu.memory_space<hbm>> -> memref<4x128xi32, #tpu.memory_space<hbm>>
      %dma_wait3A_176 = arith.constant 0 : i32
      %dma_wait3A_177 = tpu.memref_slice %arg3[%mul3A_6, %dma_wait3A_176] : memref<128x128xi32, #tpu.memory_space<hbm>> -> memref<4x128xi32, #tpu.memory_space<hbm>>
      tpu.wait_dma2 semaphore(%run_scoped3A : memref<!tpu.dma_semaphore, #tpu.memory_space<semaphore_mem>>) src(%dma_wait3A_177 : memref<4x128xi32, #tpu.memory_space<hbm>>) dst(%arg8 : memref<4x128xi32, #tpu.memory_space<vmem>>)
      tpu.yield
    }) : () -> ()
    %dma_start3A = arith.constant 0 : i32
    %dma_start3A_7 = arith.constant 0 : i32
    %dma_start3A_8 = arith.constant 0 : i32
    %dma_start3A_9 = tpu.memref_slice %arg9[%dma_start3A_7, %dma_start3A_8] : memref<512x32xbf16, #tpu.memory_space<vmem>> -> memref<128x32xbf16, #tpu.memory_space<vmem>>
    %dma_start3A_10 = arith.constant 0 : i32
    %dma_start3A_11 = tpu.memref_slice %arg7[%dma_start3A, %dma_start3A_10] : memref<4x128xi32, #tpu.memory_space<vmem>> -> memref<1x128xi32, #tpu.memory_space<vmem>>
    %dma_start3A_12 = tpu.memref_squeeze %dma_start3A_11 : memref<1x128xi32, #tpu.memory_space<vmem>> -> memref<128xi32, #tpu.memory_space<vmem>>
    %dma_start3A_13 = arith.constant 0 : i32
    %dma_start3A_14 = arith.constant 0 : i32
    %dma_start3A_15 = tpu.memref_slice %arg4[%dma_start3A_13, %dma_start3A_14] : memref<1000000x32xbf16, #tpu.memory_space<hbm>> -> memref<1000000x32xbf16, #tpu.memory_space<hbm>>
    tpu.enqueue_indirect_dma source(%dma_start3A_15 : memref<1000000x32xbf16, #tpu.memory_space<hbm>>) target(%dma_start3A_9 : memref<128x32xbf16, #tpu.memory_space<vmem>>) offsets(%dma_start3A_12 : memref<128xi32, #tpu.memory_space<vmem>>) semaphore(%arg12 : memref<!tpu.dma_semaphore, #tpu.memory_space<semaphore_mem>>)
    %dma_start3A_16 = arith.constant 0 : i32
    %dma_start3A_17 = arith.constant 0 : i32
    %dma_start3A_18 = arith.constant 0 : i32
    %dma_start3A_19 = tpu.memref_slice %arg10[%dma_start3A_17, %dma_start3A_18] : memref<512x32xbf16, #tpu.memory_space<vmem>> -> memref<128x32xbf16, #tpu.memory_space<vmem>>
    %dma_start3A_20 = arith.constant 0 : i32
    %dma_start3A_21 = tpu.memref_slice %arg8[%dma_start3A_16, %dma_start3A_20] : memref<4x128xi32, #tpu.memory_space<vmem>> -> memref<1x128xi32, #tpu.memory_space<vmem>>
    %dma_start3A_22 = tpu.memref_squeeze %dma_start3A_21 : memref<1x128xi32, #tpu.memory_space<vmem>> -> memref<128xi32, #tpu.memory_space<vmem>>
    %dma_start3A_23 = arith.constant 0 : i32
    %dma_start3A_24 = arith.constant 0 : i32
    %dma_start3A_25 = tpu.memref_slice %arg5[%dma_start3A_23, %dma_start3A_24] : memref<1000000x32xbf16, #tpu.memory_space<hbm>> -> memref<1000000x32xbf16, #tpu.memory_space<hbm>>
    tpu.enqueue_indirect_dma source(%dma_start3A_25 : memref<1000000x32xbf16, #tpu.memory_space<hbm>>) target(%dma_start3A_19 : memref<128x32xbf16, #tpu.memory_space<vmem>>) offsets(%dma_start3A_22 : memref<128xi32, #tpu.memory_space<vmem>>) semaphore(%arg13 : memref<!tpu.dma_semaphore, #tpu.memory_space<semaphore_mem>>)
    %dma_start3A_26 = arith.constant 1 : i32
    %dma_start3A_27 = arith.constant 128 : i32
    %dma_start3A_28 = arith.constant 0 : i32
    %dma_start3A_29 = tpu.memref_slice %arg9[%dma_start3A_27, %dma_start3A_28] : memref<512x32xbf16, #tpu.memory_space<vmem>> -> memref<128x32xbf16, #tpu.memory_space<vmem>>
    %dma_start3A_30 = arith.constant 0 : i32
    %dma_start3A_31 = tpu.memref_slice %arg7[%dma_start3A_26, %dma_start3A_30] : memref<4x128xi32, #tpu.memory_space<vmem>> -> memref<1x128xi32, #tpu.memory_space<vmem>>
    %dma_start3A_32 = tpu.memref_squeeze %dma_start3A_31 : memref<1x128xi32, #tpu.memory_space<vmem>> -> memref<128xi32, #tpu.memory_space<vmem>>
    %dma_start3A_33 = arith.constant 0 : i32
    %dma_start3A_34 = arith.constant 0 : i32
    %dma_start3A_35 = tpu.memref_slice %arg4[%dma_start3A_33, %dma_start3A_34] : memref<1000000x32xbf16, #tpu.memory_space<hbm>> -> memref<1000000x32xbf16, #tpu.memory_space<hbm>>
    tpu.enqueue_indirect_dma source(%dma_start3A_35 : memref<1000000x32xbf16, #tpu.memory_space<hbm>>) target(%dma_start3A_29 : memref<128x32xbf16, #tpu.memory_space<vmem>>) offsets(%dma_start3A_32 : memref<128xi32, #tpu.memory_space<vmem>>) semaphore(%arg12 : memref<!tpu.dma_semaphore, #tpu.memory_space<semaphore_mem>>)
    %dma_start3A_36 = arith.constant 1 : i32
    %dma_start3A_37 = arith.constant 128 : i32
    %dma_start3A_38 = arith.constant 0 : i32
    %dma_start3A_39 = tpu.memref_slice %arg10[%dma_start3A_37, %dma_start3A_38] : memref<512x32xbf16, #tpu.memory_space<vmem>> -> memref<128x32xbf16, #tpu.memory_space<vmem>>
    %dma_start3A_40 = arith.constant 0 : i32
    %dma_start3A_41 = tpu.memref_slice %arg8[%dma_start3A_36, %dma_start3A_40] : memref<4x128xi32, #tpu.memory_space<vmem>> -> memref<1x128xi32, #tpu.memory_space<vmem>>
    %dma_start3A_42 = tpu.memref_squeeze %dma_start3A_41 : memref<1x128xi32, #tpu.memory_space<vmem>> -> memref<128xi32, #tpu.memory_space<vmem>>
    %dma_start3A_43 = arith.constant 0 : i32
    %dma_start3A_44 = arith.constant 0 : i32
    %dma_start3A_45 = tpu.memref_slice %arg5[%dma_start3A_43, %dma_start3A_44] : memref<1000000x32xbf16, #tpu.memory_space<hbm>> -> memref<1000000x32xbf16, #tpu.memory_space<hbm>>
    tpu.enqueue_indirect_dma source(%dma_start3A_45 : memref<1000000x32xbf16, #tpu.memory_space<hbm>>) target(%dma_start3A_39 : memref<128x32xbf16, #tpu.memory_space<vmem>>) offsets(%dma_start3A_42 : memref<128xi32, #tpu.memory_space<vmem>>) semaphore(%arg13 : memref<!tpu.dma_semaphore, #tpu.memory_space<semaphore_mem>>)
    %dma_start3A_46 = arith.constant 2 : i32
    %dma_start3A_47 = arith.constant 256 : i32
    %dma_start3A_48 = arith.constant 0 : i32
    %dma_start3A_49 = tpu.memref_slice %arg9[%dma_start3A_47, %dma_start3A_48] : memref<512x32xbf16, #tpu.memory_space<vmem>> -> memref<128x32xbf16, #tpu.memory_space<vmem>>
    %dma_start3A_50 = arith.constant 0 : i32
    %dma_start3A_51 = tpu.memref_slice %arg7[%dma_start3A_46, %dma_start3A_50] : memref<4x128xi32, #tpu.memory_space<vmem>> -> memref<1x128xi32, #tpu.memory_space<vmem>>
    %dma_start3A_52 = tpu.memref_squeeze %dma_start3A_51 : memref<1x128xi32, #tpu.memory_space<vmem>> -> memref<128xi32, #tpu.memory_space<vmem>>
    %dma_start3A_53 = arith.constant 0 : i32
    %dma_start3A_54 = arith.constant 0 : i32
    %dma_start3A_55 = tpu.memref_slice %arg4[%dma_start3A_53, %dma_start3A_54] : memref<1000000x32xbf16, #tpu.memory_space<hbm>> -> memref<1000000x32xbf16, #tpu.memory_space<hbm>>
    tpu.enqueue_indirect_dma source(%dma_start3A_55 : memref<1000000x32xbf16, #tpu.memory_space<hbm>>) target(%dma_start3A_49 : memref<128x32xbf16, #tpu.memory_space<vmem>>) offsets(%dma_start3A_52 : memref<128xi32, #tpu.memory_space<vmem>>) semaphore(%arg12 : memref<!tpu.dma_semaphore, #tpu.memory_space<semaphore_mem>>)
    %dma_start3A_56 = arith.constant 2 : i32
    %dma_start3A_57 = arith.constant 256 : i32
    %dma_start3A_58 = arith.constant 0 : i32
    %dma_start3A_59 = tpu.memref_slice %arg10[%dma_start3A_57, %dma_start3A_58] : memref<512x32xbf16, #tpu.memory_space<vmem>> -> memref<128x32xbf16, #tpu.memory_space<vmem>>
    %dma_start3A_60 = arith.constant 0 : i32
    %dma_start3A_61 = tpu.memref_slice %arg8[%dma_start3A_56, %dma_start3A_60] : memref<4x128xi32, #tpu.memory_space<vmem>> -> memref<1x128xi32, #tpu.memory_space<vmem>>
    %dma_start3A_62 = tpu.memref_squeeze %dma_start3A_61 : memref<1x128xi32, #tpu.memory_space<vmem>> -> memref<128xi32, #tpu.memory_space<vmem>>
    %dma_start3A_63 = arith.constant 0 : i32
    %dma_start3A_64 = arith.constant 0 : i32
    %dma_start3A_65 = tpu.memref_slice %arg5[%dma_start3A_63, %dma_start3A_64] : memref<1000000x32xbf16, #tpu.memory_space<hbm>> -> memref<1000000x32xbf16, #tpu.memory_space<hbm>>
    tpu.enqueue_indirect_dma source(%dma_start3A_65 : memref<1000000x32xbf16, #tpu.memory_space<hbm>>) target(%dma_start3A_59 : memref<128x32xbf16, #tpu.memory_space<vmem>>) offsets(%dma_start3A_62 : memref<128xi32, #tpu.memory_space<vmem>>) semaphore(%arg13 : memref<!tpu.dma_semaphore, #tpu.memory_space<semaphore_mem>>)
    %dma_start3A_66 = arith.constant 3 : i32
    %dma_start3A_67 = arith.constant 384 : i32
    %dma_start3A_68 = arith.constant 0 : i32
    %dma_start3A_69 = tpu.memref_slice %arg9[%dma_start3A_67, %dma_start3A_68] : memref<512x32xbf16, #tpu.memory_space<vmem>> -> memref<128x32xbf16, #tpu.memory_space<vmem>>
    %dma_start3A_70 = arith.constant 0 : i32
    %dma_start3A_71 = tpu.memref_slice %arg7[%dma_start3A_66, %dma_start3A_70] : memref<4x128xi32, #tpu.memory_space<vmem>> -> memref<1x128xi32, #tpu.memory_space<vmem>>
    %dma_start3A_72 = tpu.memref_squeeze %dma_start3A_71 : memref<1x128xi32, #tpu.memory_space<vmem>> -> memref<128xi32, #tpu.memory_space<vmem>>
    %dma_start3A_73 = arith.constant 0 : i32
    %dma_start3A_74 = arith.constant 0 : i32
    %dma_start3A_75 = tpu.memref_slice %arg4[%dma_start3A_73, %dma_start3A_74] : memref<1000000x32xbf16, #tpu.memory_space<hbm>> -> memref<1000000x32xbf16, #tpu.memory_space<hbm>>
    tpu.enqueue_indirect_dma source(%dma_start3A_75 : memref<1000000x32xbf16, #tpu.memory_space<hbm>>) target(%dma_start3A_69 : memref<128x32xbf16, #tpu.memory_space<vmem>>) offsets(%dma_start3A_72 : memref<128xi32, #tpu.memory_space<vmem>>) semaphore(%arg12 : memref<!tpu.dma_semaphore, #tpu.memory_space<semaphore_mem>>)
    %dma_start3A_76 = arith.constant 3 : i32
    %dma_start3A_77 = arith.constant 384 : i32
    %dma_start3A_78 = arith.constant 0 : i32
    %dma_start3A_79 = tpu.memref_slice %arg10[%dma_start3A_77, %dma_start3A_78] : memref<512x32xbf16, #tpu.memory_space<vmem>> -> memref<128x32xbf16, #tpu.memory_space<vmem>>
    %dma_start3A_80 = arith.constant 0 : i32
    %dma_start3A_81 = tpu.memref_slice %arg8[%dma_start3A_76, %dma_start3A_80] : memref<4x128xi32, #tpu.memory_space<vmem>> -> memref<1x128xi32, #tpu.memory_space<vmem>>
    %dma_start3A_82 = tpu.memref_squeeze %dma_start3A_81 : memref<1x128xi32, #tpu.memory_space<vmem>> -> memref<128xi32, #tpu.memory_space<vmem>>
    %dma_start3A_83 = arith.constant 0 : i32
    %dma_start3A_84 = arith.constant 0 : i32
    %dma_start3A_85 = tpu.memref_slice %arg5[%dma_start3A_83, %dma_start3A_84] : memref<1000000x32xbf16, #tpu.memory_space<hbm>> -> memref<1000000x32xbf16, #tpu.memory_space<hbm>>
    tpu.enqueue_indirect_dma source(%dma_start3A_85 : memref<1000000x32xbf16, #tpu.memory_space<hbm>>) target(%dma_start3A_79 : memref<128x32xbf16, #tpu.memory_space<vmem>>) offsets(%dma_start3A_82 : memref<128xi32, #tpu.memory_space<vmem>>) semaphore(%arg13 : memref<!tpu.dma_semaphore, #tpu.memory_space<semaphore_mem>>)
    %dma_wait3A = arith.constant 0 : i32
    %dma_wait3A_86 = arith.constant 0 : i32
    %dma_wait3A_87 = arith.constant 0 : i32
    %dma_wait3A_88 = tpu.memref_slice %arg9[%dma_wait3A_86, %dma_wait3A_87] : memref<512x32xbf16, #tpu.memory_space<vmem>> -> memref<128x32xbf16, #tpu.memory_space<vmem>>
    %dma_wait3A_89 = arith.constant 0 : i32
    %dma_wait3A_90 = tpu.memref_slice %arg7[%dma_wait3A, %dma_wait3A_89] : memref<4x128xi32, #tpu.memory_space<vmem>> -> memref<1x128xi32, #tpu.memory_space<vmem>>
    %dma_wait3A_91 = tpu.memref_squeeze %dma_wait3A_90 : memref<1x128xi32, #tpu.memory_space<vmem>> -> memref<128xi32, #tpu.memory_space<vmem>>
    %dma_wait3A_92 = arith.constant 0 : i32
    %dma_wait3A_93 = arith.constant 0 : i32
    %dma_wait3A_94 = tpu.memref_slice %arg4[%dma_wait3A_92, %dma_wait3A_93] : memref<1000000x32xbf16, #tpu.memory_space<hbm>> -> memref<1000000x32xbf16, #tpu.memory_space<hbm>>
    tpu.wait_indirect_dma semaphore(%arg12 : memref<!tpu.dma_semaphore, #tpu.memory_space<semaphore_mem>>) src(%dma_wait3A_94 : memref<1000000x32xbf16, #tpu.memory_space<hbm>>) dst(%dma_wait3A_88 : memref<128x32xbf16, #tpu.memory_space<vmem>>)
    %dma_wait3A_95 = arith.constant 0 : i32
    %dma_wait3A_96 = arith.constant 0 : i32
    %dma_wait3A_97 = arith.constant 0 : i32
    %dma_wait3A_98 = tpu.memref_slice %arg10[%dma_wait3A_96, %dma_wait3A_97] : memref<512x32xbf16, #tpu.memory_space<vmem>> -> memref<128x32xbf16, #tpu.memory_space<vmem>>
    %dma_wait3A_99 = arith.constant 0 : i32
    %dma_wait3A_100 = tpu.memref_slice %arg8[%dma_wait3A_95, %dma_wait3A_99] : memref<4x128xi32, #tpu.memory_space<vmem>> -> memref<1x128xi32, #tpu.memory_space<vmem>>
    %dma_wait3A_101 = tpu.memref_squeeze %dma_wait3A_100 : memref<1x128xi32, #tpu.memory_space<vmem>> -> memref<128xi32, #tpu.memory_space<vmem>>
    %dma_wait3A_102 = arith.constant 0 : i32
    %dma_wait3A_103 = arith.constant 0 : i32
    %dma_wait3A_104 = tpu.memref_slice %arg5[%dma_wait3A_102, %dma_wait3A_103] : memref<1000000x32xbf16, #tpu.memory_space<hbm>> -> memref<1000000x32xbf16, #tpu.memory_space<hbm>>
    tpu.wait_indirect_dma semaphore(%arg13 : memref<!tpu.dma_semaphore, #tpu.memory_space<semaphore_mem>>) src(%dma_wait3A_104 : memref<1000000x32xbf16, #tpu.memory_space<hbm>>) dst(%dma_wait3A_98 : memref<128x32xbf16, #tpu.memory_space<vmem>>)
    %dma_wait3A_105 = arith.constant 1 : i32
    %dma_wait3A_106 = arith.constant 128 : i32
    %dma_wait3A_107 = arith.constant 0 : i32
    %dma_wait3A_108 = tpu.memref_slice %arg9[%dma_wait3A_106, %dma_wait3A_107] : memref<512x32xbf16, #tpu.memory_space<vmem>> -> memref<128x32xbf16, #tpu.memory_space<vmem>>
    %dma_wait3A_109 = arith.constant 0 : i32
    %dma_wait3A_110 = tpu.memref_slice %arg7[%dma_wait3A_105, %dma_wait3A_109] : memref<4x128xi32, #tpu.memory_space<vmem>> -> memref<1x128xi32, #tpu.memory_space<vmem>>
    %dma_wait3A_111 = tpu.memref_squeeze %dma_wait3A_110 : memref<1x128xi32, #tpu.memory_space<vmem>> -> memref<128xi32, #tpu.memory_space<vmem>>
    %dma_wait3A_112 = arith.constant 0 : i32
    %dma_wait3A_113 = arith.constant 0 : i32
    %dma_wait3A_114 = tpu.memref_slice %arg4[%dma_wait3A_112, %dma_wait3A_113] : memref<1000000x32xbf16, #tpu.memory_space<hbm>> -> memref<1000000x32xbf16, #tpu.memory_space<hbm>>
    tpu.wait_indirect_dma semaphore(%arg12 : memref<!tpu.dma_semaphore, #tpu.memory_space<semaphore_mem>>) src(%dma_wait3A_114 : memref<1000000x32xbf16, #tpu.memory_space<hbm>>) dst(%dma_wait3A_108 : memref<128x32xbf16, #tpu.memory_space<vmem>>)
    %dma_wait3A_115 = arith.constant 1 : i32
    %dma_wait3A_116 = arith.constant 128 : i32
    %dma_wait3A_117 = arith.constant 0 : i32
    %dma_wait3A_118 = tpu.memref_slice %arg10[%dma_wait3A_116, %dma_wait3A_117] : memref<512x32xbf16, #tpu.memory_space<vmem>> -> memref<128x32xbf16, #tpu.memory_space<vmem>>
    %dma_wait3A_119 = arith.constant 0 : i32
    %dma_wait3A_120 = tpu.memref_slice %arg8[%dma_wait3A_115, %dma_wait3A_119] : memref<4x128xi32, #tpu.memory_space<vmem>> -> memref<1x128xi32, #tpu.memory_space<vmem>>
    %dma_wait3A_121 = tpu.memref_squeeze %dma_wait3A_120 : memref<1x128xi32, #tpu.memory_space<vmem>> -> memref<128xi32, #tpu.memory_space<vmem>>
    %dma_wait3A_122 = arith.constant 0 : i32
    %dma_wait3A_123 = arith.constant 0 : i32
    %dma_wait3A_124 = tpu.memref_slice %arg5[%dma_wait3A_122, %dma_wait3A_123] : memref<1000000x32xbf16, #tpu.memory_space<hbm>> -> memref<1000000x32xbf16, #tpu.memory_space<hbm>>
    tpu.wait_indirect_dma semaphore(%arg13 : memref<!tpu.dma_semaphore, #tpu.memory_space<semaphore_mem>>) src(%dma_wait3A_124 : memref<1000000x32xbf16, #tpu.memory_space<hbm>>) dst(%dma_wait3A_118 : memref<128x32xbf16, #tpu.memory_space<vmem>>)
    %dma_wait3A_125 = arith.constant 2 : i32
    %dma_wait3A_126 = arith.constant 256 : i32
    %dma_wait3A_127 = arith.constant 0 : i32
    %dma_wait3A_128 = tpu.memref_slice %arg9[%dma_wait3A_126, %dma_wait3A_127] : memref<512x32xbf16, #tpu.memory_space<vmem>> -> memref<128x32xbf16, #tpu.memory_space<vmem>>
    %dma_wait3A_129 = arith.constant 0 : i32
    %dma_wait3A_130 = tpu.memref_slice %arg7[%dma_wait3A_125, %dma_wait3A_129] : memref<4x128xi32, #tpu.memory_space<vmem>> -> memref<1x128xi32, #tpu.memory_space<vmem>>
    %dma_wait3A_131 = tpu.memref_squeeze %dma_wait3A_130 : memref<1x128xi32, #tpu.memory_space<vmem>> -> memref<128xi32, #tpu.memory_space<vmem>>
    %dma_wait3A_132 = arith.constant 0 : i32
    %dma_wait3A_133 = arith.constant 0 : i32
    %dma_wait3A_134 = tpu.memref_slice %arg4[%dma_wait3A_132, %dma_wait3A_133] : memref<1000000x32xbf16, #tpu.memory_space<hbm>> -> memref<1000000x32xbf16, #tpu.memory_space<hbm>>
    tpu.wait_indirect_dma semaphore(%arg12 : memref<!tpu.dma_semaphore, #tpu.memory_space<semaphore_mem>>) src(%dma_wait3A_134 : memref<1000000x32xbf16, #tpu.memory_space<hbm>>) dst(%dma_wait3A_128 : memref<128x32xbf16, #tpu.memory_space<vmem>>)
    %dma_wait3A_135 = arith.constant 2 : i32
    %dma_wait3A_136 = arith.constant 256 : i32
    %dma_wait3A_137 = arith.constant 0 : i32
    %dma_wait3A_138 = tpu.memref_slice %arg10[%dma_wait3A_136, %dma_wait3A_137] : memref<512x32xbf16, #tpu.memory_space<vmem>> -> memref<128x32xbf16, #tpu.memory_space<vmem>>
    %dma_wait3A_139 = arith.constant 0 : i32
    %dma_wait3A_140 = tpu.memref_slice %arg8[%dma_wait3A_135, %dma_wait3A_139] : memref<4x128xi32, #tpu.memory_space<vmem>> -> memref<1x128xi32, #tpu.memory_space<vmem>>
    %dma_wait3A_141 = tpu.memref_squeeze %dma_wait3A_140 : memref<1x128xi32, #tpu.memory_space<vmem>> -> memref<128xi32, #tpu.memory_space<vmem>>
    %dma_wait3A_142 = arith.constant 0 : i32
    %dma_wait3A_143 = arith.constant 0 : i32
    %dma_wait3A_144 = tpu.memref_slice %arg5[%dma_wait3A_142, %dma_wait3A_143] : memref<1000000x32xbf16, #tpu.memory_space<hbm>> -> memref<1000000x32xbf16, #tpu.memory_space<hbm>>
    tpu.wait_indirect_dma semaphore(%arg13 : memref<!tpu.dma_semaphore, #tpu.memory_space<semaphore_mem>>) src(%dma_wait3A_144 : memref<1000000x32xbf16, #tpu.memory_space<hbm>>) dst(%dma_wait3A_138 : memref<128x32xbf16, #tpu.memory_space<vmem>>)
    %dma_wait3A_145 = arith.constant 3 : i32
    %dma_wait3A_146 = arith.constant 384 : i32
    %dma_wait3A_147 = arith.constant 0 : i32
    %dma_wait3A_148 = tpu.memref_slice %arg9[%dma_wait3A_146, %dma_wait3A_147] : memref<512x32xbf16, #tpu.memory_space<vmem>> -> memref<128x32xbf16, #tpu.memory_space<vmem>>
    %dma_wait3A_149 = arith.constant 0 : i32
    %dma_wait3A_150 = tpu.memref_slice %arg7[%dma_wait3A_145, %dma_wait3A_149] : memref<4x128xi32, #tpu.memory_space<vmem>> -> memref<1x128xi32, #tpu.memory_space<vmem>>
    %dma_wait3A_151 = tpu.memref_squeeze %dma_wait3A_150 : memref<1x128xi32, #tpu.memory_space<vmem>> -> memref<128xi32, #tpu.memory_space<vmem>>
    %dma_wait3A_152 = arith.constant 0 : i32
    %dma_wait3A_153 = arith.constant 0 : i32
    %dma_wait3A_154 = tpu.memref_slice %arg4[%dma_wait3A_152, %dma_wait3A_153] : memref<1000000x32xbf16, #tpu.memory_space<hbm>> -> memref<1000000x32xbf16, #tpu.memory_space<hbm>>
    tpu.wait_indirect_dma semaphore(%arg12 : memref<!tpu.dma_semaphore, #tpu.memory_space<semaphore_mem>>) src(%dma_wait3A_154 : memref<1000000x32xbf16, #tpu.memory_space<hbm>>) dst(%dma_wait3A_148 : memref<128x32xbf16, #tpu.memory_space<vmem>>)
    %dma_wait3A_155 = arith.constant 3 : i32
    %dma_wait3A_156 = arith.constant 384 : i32
    %dma_wait3A_157 = arith.constant 0 : i32
    %dma_wait3A_158 = tpu.memref_slice %arg10[%dma_wait3A_156, %dma_wait3A_157] : memref<512x32xbf16, #tpu.memory_space<vmem>> -> memref<128x32xbf16, #tpu.memory_space<vmem>>
    %dma_wait3A_159 = arith.constant 0 : i32
    %dma_wait3A_160 = tpu.memref_slice %arg8[%dma_wait3A_155, %dma_wait3A_159] : memref<4x128xi32, #tpu.memory_space<vmem>> -> memref<1x128xi32, #tpu.memory_space<vmem>>
    %dma_wait3A_161 = tpu.memref_squeeze %dma_wait3A_160 : memref<1x128xi32, #tpu.memory_space<vmem>> -> memref<128xi32, #tpu.memory_space<vmem>>
    %dma_wait3A_162 = arith.constant 0 : i32
    %dma_wait3A_163 = arith.constant 0 : i32
    %dma_wait3A_164 = tpu.memref_slice %arg5[%dma_wait3A_162, %dma_wait3A_163] : memref<1000000x32xbf16, #tpu.memory_space<hbm>> -> memref<1000000x32xbf16, #tpu.memory_space<hbm>>
    tpu.wait_indirect_dma semaphore(%arg13 : memref<!tpu.dma_semaphore, #tpu.memory_space<semaphore_mem>>) src(%dma_wait3A_164 : memref<1000000x32xbf16, #tpu.memory_space<hbm>>) dst(%dma_wait3A_158 : memref<128x32xbf16, #tpu.memory_space<vmem>>)
    %iota3A = tpu.iota {dimensions = array<i32: 0>} : vector<16xi32>
    %scan3A = arith.constant 0 : i32
    %scan3A_165 = arith.constant 0 : i32
    %scan3A_166 = arith.constant 32 : i32
    %scan3A_167 = arith.addi %scan3A_165, %scan3A_166 : i32
    %scan3A_168 = arith.constant 1 : i32
    scf.for %scan3A_170 = %scan3A_165 to %scan3A_167 step %scan3A_168  : i32 {
      %broadcast_in_dim3A = arith.constant 0.000000e+00 : f32
      %broadcast_in_dim3A_171 = vector.broadcast %broadcast_in_dim3A : f32 to vector<16xf32>
      %scan3A_172 = arith.constant 0 : i32
      %scan3A_173 = arith.constant 16 : i32
      %scan3A_174 = arith.addi %scan3A_172, %scan3A_173 : i32
      %scan3A_175 = arith.constant 1 : i32
      %scan3A_176 = scf.for %scan3A_181 = %scan3A_172 to %scan3A_174 step %scan3A_175 iter_args(%scan3A_182 = %broadcast_in_dim3A_171) -> (vector<16xf32>)  : i32 {
        %mul3A_183 = arith.constant 16 : i32
        %mul3A_184 = arith.muli %scan3A_170, %mul3A_183 : i32
        %add3A_185 = arith.addi %mul3A_184, %scan3A_181 : i32
        %get3A = arith.index_cast %add3A_185 : i32 to index
        %get3A_186 = arith.constant 0 : index
        %get3A_187 = tpu.vector_load %arg9[%get3A, %get3A_186] {strides = array<i32>} : memref<512x32xbf16, #tpu.memory_space<vmem>>, vector<32xbf16>,
        %unpack3A = tpu.unpack_subelements %get3A_187, 0 {pack_format = #tpu.pack_format<interleaved>} : vector<32xbf16> -> vector<16xf32>
        %unpack3A_188 = tpu.unpack_subelements %get3A_187, 1 {pack_format = #tpu.pack_format<interleaved>} : vector<32xbf16> -> vector<16xf32>
        %get3A_189 = arith.index_cast %add3A_185 : i32 to index
        %get3A_190 = arith.constant 0 : index
        %get3A_191 = tpu.vector_load %arg10[%get3A_189, %get3A_190] {strides = array<i32>} : memref<512x32xbf16, #tpu.memory_space<vmem>>, vector<32xbf16>,
        %unpack3A_192 = tpu.unpack_subelements %get3A_191, 0 {pack_format = #tpu.pack_format<interleaved>} : vector<32xbf16> -> vector<16xf32>
        %unpack3A_193 = tpu.unpack_subelements %get3A_191, 1 {pack_format = #tpu.pack_format<interleaved>} : vector<32xbf16> -> vector<16xf32>
        %mul3A_194 = arith.mulf %unpack3A, %unpack3A_192 : vector<16xf32>
        %mul3A_195 = arith.mulf %unpack3A_188, %unpack3A_193 : vector<16xf32>
        %add3A_196 = arith.addf %mul3A_194, %mul3A_195 : vector<16xf32>
        %reduce_sum3A = arith.constant true
        %reduce_sum3A_197 = vector.broadcast %reduce_sum3A : i1 to vector<16xi1>
        %reduce_sum3A_198 = tpu.scan <sum>, %add3A_196 masked %reduce_sum3A_197 : vector<16xf32>, vector<16xi1> -> vector<16xf32>
        %reduce_sum3A_199 = vector.extract %reduce_sum3A_198[15] : f32 from vector<16xf32>
        %eq3A = vector.broadcast %scan3A_181 : i32 to vector<16xi32>
        %eq3A_200 = arith.cmpi eq, %iota3A, %eq3A : vector<16xi32>
        %broadcast_in_dim3A_201 = vector.broadcast %reduce_sum3A_199 : f32 to vector<16xf32>
        %select_n3A = arith.select %eq3A_200, %broadcast_in_dim3A_201, %scan3A_182 : vector<16xi1>, vector<16xf32>
        scf.yield %select_n3A : vector<16xf32>
      }
      %scan3A_177 = arith.constant 16 : i32
      %mul3A_178 = arith.constant 16 : i32
      %mul3A_179 = arith.muli %scan3A_170, %mul3A_178 : i32
      %swap3A = arith.index_cast %mul3A_179 : i32 to index
      %swap3A_180 = tpu.vector_load %arg11[%swap3A] {strides = array<i32>} : memref<512xf32, #tpu.memory_space<vmem>>, vector<16xf32>,
      tpu.vector_store %arg11[%swap3A], %scan3A_176 {strides = array<i32>} : memref<512xf32, #tpu.memory_space<vmem>>, vector<16xf32>,
    }
    %scan3A_169 = arith.constant 32 : i32
    "tpu.region"() ({
      %run_scoped3A = tpu.sem_alloc : memref<!tpu.dma_semaphore, #tpu.memory_space<semaphore_mem>>
      %dma_start3A_170 = tpu.memref_slice %arg6[%mul3A_2] : memref<16384xf32, #tpu.memory_space<hbm>> -> memref<512xf32, #tpu.memory_space<hbm>>
      %dma_start3A_171 = tpu.memref_slice %arg6[%mul3A_2] : memref<16384xf32, #tpu.memory_space<hbm>> -> memref<512xf32, #tpu.memory_space<hbm>>
      tpu.enqueue_dma source(%arg11 : memref<512xf32, #tpu.memory_space<vmem>>) target(%dma_start3A_171 : memref<512xf32, #tpu.memory_space<hbm>>) target_semaphore(%run_scoped3A : memref<!tpu.dma_semaphore, #tpu.memory_space<semaphore_mem>>)
      %dma_wait3A_172 = tpu.memref_slice %arg6[%mul3A_2] : memref<16384xf32, #tpu.memory_space<hbm>> -> memref<512xf32, #tpu.memory_space<hbm>>
      %dma_wait3A_173 = tpu.memref_slice %arg6[%mul3A_2] : memref<16384xf32, #tpu.memory_space<hbm>> -> memref<512xf32, #tpu.memory_space<hbm>>
      tpu.wait_dma2 semaphore(%run_scoped3A : memref<!tpu.dma_semaphore, #tpu.memory_space<semaphore_mem>>) src(%arg11 : memref<512xf32, #tpu.memory_space<vmem>>) dst(%dma_wait3A_173 : memref<512xf32, #tpu.memory_space<hbm>>)
      tpu.yield
    }) : () -> ()
    return
  }
}

</mosaic_0001>

<sc_bundles>
// kernel: kernel.3.cloned.1.call-start
scs
__scs_entry_jumppad:
0x0: {  	(pc) =	sbr.rel $0x88, $3  }
0x1: {  	(tag) =	ssettag $0x0;
	lr =	simm.s32 $0x1  }
0x2: {  	[smem:$0x3F9D] =	sst lr;
	_ =	strace $0xD0000000  }
0x3: {  	_ = 	snop  }
0x4: {  	_ = 	snop  }
0x5: {  	_ = 	snop  }
0x6: {  	_ = 	snop  }
0x7: {  	_ = 	snop  }
__scs_overlays_trampoline_lowered:
0x8: {  	[smem:$0x3FAC] =	sst s0  }
0x9: {  	[smem:$0x3FAD] =	sst s1  }
0xa: {  	[smem:$0x3FAE] =	sst s2  }
0xb: {  	[smem:$0x3FAF] =	sst s3  }
0xc: {  	[smem:$0x3FB0] =	sst s4  }
0xd: {  	[smem:$0x3FB1] =	sst s5  }
0xe: {  	[smem:$0x3FB2] =	sst s6  }
0xf: {  	[smem:$0x3FB3] =	sst s7  }
0x10: {  	[smem:$0x3FB4] =	sst s8  }
0x11: {  	[smem:$0x3FB5] =	sst s9;
	s0 =	simm.s32 @!p0 $0x0  }
0x12: {  	s1 =	sld [smem:$0x3F9B];
	s0 =	simm.s32 @p0 $0x1  }
0x13: {  	[smem:$0x3FB6] =	sst s0;
	s0 =	simm.s32 @!p1 $0x0  }
0x14: {  	s2 =	sld [smem:$0x3F9A];
	s0 =	simm.s32 @p1 $0x1  }
0x15: {  	[smem:$0x3FB7] =	sst s0;
	s0 =	simm.s32 @!p2 $0x0  }
0x16: {  	s3 =	sld [smem:$0x3FDB];
	s0 =	simm.s32 @p2 $0x1  }
0x17: {  	s4 =	simm.s32 $0x1BF5;
	[smem:$0x3FB9] =	sst s0  }
0x18: {  	s0 =	sld [smem:$0x3F9C];
	_ =	swait.ge [sflag:s4], $0x0  }
0x19: {  	s7 =	sld [smem:$0x3F9D]  }
0x1a: {  	s8 =	sadd.s32 $0xFFFFE003, lr  }
0x1b: {  	s9 =	sadd.s32 $0xFFFFFEF7, lr;
	s5 =	simm.s32 $0xFFFFFFFF;
	p2 =	slt.u32 s8, $0xFFFFF086  }
0x1c: {  	p1 =	slt.u32 s9, $0xF7A;
	s5 =	simm.s32 @!p2 $0x0  }
0x1d: {  	s5 =	simm.s32 @p1 $0x1;
	p0 =	seq.s32 s7, s2  }
0x1e: {  	s7 =	smul.u32 @!p0 $0xF7A, s2;
	p2 =	seq.s32 @!p0 s5, $0x0  }
0x1f: {  	s9 =	smul.u32 $0xF7A, s1;
	s8 =	simm.s32 @!p0 $0x1BF5;
	p2 =	por !p2, p0  }
0x20: {  	[sflag:s8] =	ssyncset.s32 @!p0 $0xFFFFF086;
	s6 =	sadd.s32 @!p0 s3, s7;
	s7 =	simm.s32 @!p0 $0x108  }
0x21: {  	s3 =	sadd.s32 s3, s9;
	s6 =	sadd.s32 @!p0 $0x88, s6;
	s7 =	simm.s32 @p2 $0x1082  }
0x22: {  	[simem:s7], [sflag:s8] =	dma.local @!p0 [hbm:s6], $0xF7A  }
0x23: {  	s9 =	sor.u32 $0xD0000000, s2;
	s6 =	simm.s32 $0x108;
	_ =	swait.ge @!p0 [sflag:s8], $0x0  }
0x24: {  	s3 =	sadd.s32 $0x88, s3;
	s6 =	simm.s32 @!p1 $0x1082;
	[sflag:s4] =	ssyncset.s32 $0xFFFFF086  }
0x25: {  	[simem:s6], [sflag:s4] =	dma.local [hbm:s3], $0xF7A  }
0x26: {  	[smem:$0x3F9D] =	sst s1;
	(tag) =	ssettag s2;
	_ =	strace s9  }
0x27: {  	s1 =	sld [smem:$0x3FAD]  }
0x28: {  	s2 =	sld [smem:$0x3FAE]  }
0x29: {  	s4 =	sld [smem:$0x3FB0]  }
0x2a: {  	p0 =	seq.s32 s5, $0x0;
	s5 =	sld [smem:$0x3FB1]  }
0x2b: {  	s6 =	sld [smem:$0x3FB2]  }
0x2c: {  	s7 =	sld [smem:$0x3FB3]  }
0x2d: {  	s3 =	simm.s32 $0x108;
	s8 =	sld [smem:$0x3FB4]  }
0x2e: {  	s3 =	simm.s32 @!p0 $0x1082;
	s9 =	sld [smem:$0x3FB5]  }
0x2f: {  	lr =	sadd.s32 s0, s3;
	s0 =	sld [smem:$0x3FAC]  }
0x30: {  	s3 =	sld [smem:$0x3FAF]  }
0x31: {  	[smem:$0x3FB8] =	sst s10  }
0x32: {  	s10 =	sld [smem:$0x3FB6];
	_ =	sdelay $0x3  }
0x33: {  	p0 =	seq.s32 s10, $0x1;
	s10 =	sld [smem:$0x3FB8];
	_ =	sdelay $0x3  }
0x34: {  	[smem:$0x3FB8] =	sst s10  }
0x35: {  	s10 =	sld [smem:$0x3FB7];
	_ =	sdelay $0x3  }
0x36: {  	p1 =	seq.s32 s10, $0x1;
	s10 =	sld [smem:$0x3FB8];
	_ =	sdelay $0x3  }
0x37: {  	[smem:$0x3FB8] =	sst s10  }
0x38: {  	s10 =	sld [smem:$0x3FB9]  }
0x39: {  	_ = 	snop;
	(pc) =	sbr.ind lr, $3  }
0x3a: {  	_ = 	snop  }
0x3b: {  	_ = 	snop  }
0x3c: {  	p2 =	seq.s32 s10, $0x1;
	s10 =	sld [smem:$0x3FB8]  }
0x3d: {  	_ =	shalt  }
0x3e: {  	_ =	shalt  }
0x3f: {  	_ =	shalt  }
0x40: {  	_ =	shalt  }
0x41: {  	_ =	shalt  }
0x42: {  	_ =	shalt  }
0x43: {  	_ =	shalt  }
0x44: {  	_ =	shalt  }
0x45: {  	_ =	shalt  }
0x46: {  	_ =	shalt  }
0x47: {  	_ =	shalt  }
0x48: {  	_ =	shalt  }
0x49: {  	_ =	shalt  }
0x4a: {  	_ =	shalt  }
0x4b: {  	_ =	shalt  }
0x4c: {  	_ =	shalt  }
0x4d: {  	_ =	shalt  }
0x4e: {  	_ =	shalt  }
0x4f: {  	_ =	shalt  }
0x50: {  	_ =	shalt  }
0x51: {  	_ =	shalt  }
0x52: {  	_ =	shalt  }
0x53: {  	_ =	shalt  }
0x54: {  	_ =	shalt  }
0x55: {  	_ =	shalt  }
0x56: {  	_ =	shalt  }
0x57: {  	_ =	shalt  }
0x58: {  	_ =	shalt  }
0x59: {  	_ =	shalt  }
0x5a: {  	_ =	shalt  }
0x5b: {  	_ =	shalt  }
0x5c: {  	_ =	shalt  }
0x5d: {  	_ =	shalt  }
0x5e: {  	_ =	shalt  }
0x5f: {  	_ =	shalt  }
0x60: {  	_ =	shalt  }
0x61: {  	_ =	shalt  }
0x62: {  	_ =	shalt  }
0x63: {  	_ =	shalt  }
0x64: {  	_ =	shalt  }
0x65: {  	_ =	shalt  }
0x66: {  	_ =	shalt  }
0x67: {  	_ =	shalt  }
0x68: {  	_ =	shalt  }
0x69: {  	_ =	shalt  }
0x6a: {  	_ =	shalt  }
0x6b: {  	_ =	shalt  }
0x6c: {  	_ =	shalt  }
0x6d: {  	_ =	shalt  }
0x6e: {  	_ =	shalt  }
0x6f: {  	_ =	shalt  }
0x70: {  	_ =	shalt  }
0x71: {  	_ =	shalt  }
0x72: {  	_ =	shalt  }
0x73: {  	_ =	shalt  }
0x74: {  	_ =	shalt  }
0x75: {  	_ =	shalt  }
0x76: {  	_ =	shalt  }
0x77: {  	_ =	shalt  }
0x78: {  	_ =	shalt  }
0x79: {  	_ =	shalt  }
0x7a: {  	_ =	shalt  }
0x7b: {  	_ =	shalt  }
0x7c: {  	_ =	shalt  }
0x7d: {  	_ =	shalt  }
0x7e: {  	_ =	shalt  }
0x7f: {  	_ =	shalt  }
0x80: {  	_ =	shalt  }
0x81: {  	_ =	shalt  }
0x82: {  	_ =	shalt  }
0x83: {  	_ =	shalt  }
0x84: {  	_ =	shalt  }
0x85: {  	_ =	shalt  }
0x86: {  	_ =	shalt  }
0x87: {  	_ =	shalt  }
.Lfunc_end0:
.L_simem_size_0:
called_computation.4_lowered:
.L_overlay_start_0:
0x88: {  	s2 =	sld [smem:$0x3FD9]  }
0x89: {  	s3 =	sld [smem:$0x3FFE];
	_ =	sdelay $0x1  }
0x8a: {  	s1 =	srdreg.scid  }
0x8b: {  	s0 =	sand.u32 $0x1, s1  }
0x8c: {  	s17 =	sshll.u32 s0, $0xA;
	s2 =	sadd.s32 s3, s2  }
0x8d: {  	s2 =	sadd.s32 s2, s17  }
0x8e: {  	[smem:$0x3FC4] =	sst s2  }
0x8f: {  	_ = 	snop  }
0x90: {  	s2 =	sld [smem:$0x3FC9]  }
0x91: {  	s18 =	sld [smem:$0x3FC8]  }
0x92: {  	s4 =	sld [smem:$0x3FD0];
	(tm) =	ssettm $0x1  }
0x93: {  	s5 =	sld [smem:$0x3FFB];
	_ =	sdelay $0x3  }
0x94: {  	_ =	strace s5  }
0x95: {  	s5 =	sld [smem:$0x3FFC];
	_ =	sdelay $0x3  }
0x96: {  	_ =	strace s5  }
0x97: {  	s5 =	sld [smem:$0x3FFD];
	_ =	sdelay $0x3  }
0x98: {  	_ =	strace s5  }
0x99: {  	_ =	strace $0x8FFFFFFF  }
0x9a: {  	s19 =	sld [smem:$0x3FDB];
	_ =	sdelay $0x1  }
0x9b: {  	s6 =	simm.s32 $_scs_section_size  }
0x9c: {  	s7 =	simm.s32 $_size__tile_overlayer_lowered;
	s8 =	simm.s32 $_tile_overlayer_lowered  }
0x9d: {  	s22 =	simm.s32 $0x1BFF;
	s21 =	sshll.u32 s8, $0x1;
	s5 =	sadd.s32 s6, s19  }
0x9e: {  	s9 =	simm.s32 $0x0;
	s20 =	sshll.u32 s7, $0x1;
	s7 =	sadd.s32 s21, s5  }
0x9f: {  	[timem:s9], [sflag:s22] =	dma.local [hbm:s7], s20  }
0xa0: {  	_ =	swait.ge [sflag:s22], s20  }
0xa1: {  	s6 =	ssub.s32 $0x0, s20;
	[sflag:s22] =	ssyncset.done $0x0  }
0xa2: {  	[sflag:s22] =	ssyncadd.s32 s6;
	_ =	sdelay $0x1  }
0xa3: {  	s23 =	simm.s32 $0x1B8B  }
0xa4: {  	_ =	swait.ge [sflag:s23], $0x1  }
0xa5: {  	[sflag:s23] =	ssyncset.done $0x0  }
0xa6: {  	s25 =	simm.s32 $0x1B8E;
	s24 =	sld [smem:$0x3FFE];
	[sflag:s23] =	ssyncadd.s32 $0xFFFFFFFF  }
0xa7: {  	s26 =	simm.s32 $execute0_lowered;
	[smem:$0x3FD2] =	sst s25  }
0xa8: {  	s7 =	sshll.u32 s26, $0x1;
	_ =	strace $0x80000052;
	[dreg:$0x1] =	wrdreg $0xFFFFFFFF  }
0xa9: {  	s28 =	simm.s32 $_size_execute0_lowered;
	s5 =	sadd.s32 s5, s7;
	[dreg:$0x0] =	wrdreg $0x0  }
0xaa: {  	s7 =	sshll.u32 s28, $0x1;
	[dreg:$0x2] =	wrdreg s5  }
0xab: {  	[dreg:$0x3] =	wrdreg s7  }
0xac: {  	[dreg:$0x4] =	wrdreg $0xC0  }
0xad: {  	_ =	task [dreg:s9], $0x5FFFF  }
0xae: {  	[dreg:$0x1] =	wrdreg $0xFFFFFFFF  }
0xaf: {  	[dreg:$0x0] =	wrdreg $0x60  }
0xb0: {  	[dreg:$0x2] =	wrdreg s2  }
0xb1: {  	[dreg:$0x3] =	wrdreg s18  }
0xb2: {  	[dreg:$0x4] =	wrdreg s24  }
0xb3: {  	[dreg:$0x5] =	wrdreg s4  }
0xb4: {  	[dreg:$0x6] =	wrdreg $0x9  }
0xb5: {  	_ =	task.clear_ibuf [dreg:s9], $0x7FFFF;
	_ =	strace $0x90000052  }
0xb6: {  	s29 =	simm.s32 $0x9;
	_ =	strace $0x80000054  }
0xb7: {  	_ =	swait.ge [sflag:s29], $0x1  }
0xb8: {  	[sflag:s29] =	ssyncadd.s32 $0xFFFFFFFF  }
0xb9: {  	_ =	strace $0x90000054  }
0xba: {  	_ =	sfence  }
0xbb: {  	s30 =	sld [smem:$0x0];
	_ =	sdelay $0x2  }
0xbc: {  	s31 =	sshll.u32 s1, $0xD;
	s1 =	sshrl.u32 s1, $0x2  }
0xbd: {  	s3 =	sand.u32 $0x4000, s31;
	s1 =	sadd.s32 s1, s30  }
0xbe: {  	s0 =	sor.u32 s3, s0;
	s1 =	sshll.u32 s1, $0x11  }
0xbf: {  	s0 =	sor.u32 s1, s0  }
0xc0: {  	s0 =	sadd.s32 $0x8F2B, s0  }
0xc1: {  	[sflag:s0] =	ssyncadd.remote.s32 $0x1  }
0xc2: {  	_ =	sfence.sel $0xFFFF  }
0xc3: {  	[dreg:$0x0] =	wrdreg $0xFFFFFFFF;
	(pc) =	sbr.abs _section_cstart, $3  }
0xc4: {  	[dreg:$0x1] =	wrdreg $0xFFFFFFFF  }
0xc5: {  	_ =	task.clear_ibuf [dreg:s9], $0x2FFFF;
	_ =	strace $0x9FFFFFFF  }
0xc6: {  	(tm) =	ssettm $0x7FFFFFFF  }
0xc7: {  	_ =	shalt  }
tec
execute0_lowered:
.L_overlay_start_1:
0x0: {  	(tag) =	ssettag $0x1  }
0x1: {  	s0 =	rddreg [dreg:$0x0]  }
0x2: {  	s1 =	rddreg [dreg:$0x1]  }
0x3: {  	s4 =	rddreg [dreg:$0x2]  }
0x4: {  	s7 =	rddreg [dreg:$0x3];
	s2 =	simm.s32 $0x0;
	s3 =	srdreg.scid  }
0x5: {  	s6 =	stileid.u32;
	s10 =	simm.s32 $0x200;
	s11 =	simm.s32 $0x80  }
0x6: {  	s16 =	simm.s32 $0x1400;
	s17 =	simm.s32 $0x300;
	s18 =	simm.s32 $0x3400  }
0x7: {  	s19 =	simm.s32 $0x180;
	s20 =	simm.s32 $0x1C00;
	s21 =	simm.s32 $0x380  }
0x8: {  	s22 =	simm.s32 $0x3C00;
	s23 =	simm.s32 $0x1;
	s24 =	simm.s32 $0x2  }
0x9: {  	s25 =	simm.s32 $0x4400;
	s26 =	simm.s32 $0x0;
	[smem:$0x7FF] =	sst s2  }
0xa: {  	s3 =	sand.u32 $0x1, s3;
	s6 =	sshll.u32 s6, $0x7;
	_ =	strace $0x80000053  }
0xb: {  	s5 =	ssub.s32 $0x2, s3;
	s8 =	sshll.u32 s3, $0x6;
	s3 =	sadd.s32 $0x3D2000, s4  }
0xc: {  	s4 =	sadd.s32 $0x1400, s4;
	s9 =	sshrl.u32 s5, $0x1;
	s8 =	sor.u32 s8, s6  }
0xd: {  	s9 =	ssub.s32 s5, s9;
	s5 =	sadd.s32 s0, s8;
	s6 =	sadd.s32 s1, s8  }
0xe: {  	v0 =	vlaneseq.u32;
	s7 =	sadd.s32 s7, s8;
	s8 =	smax.u32 s9, $0x1;
	s9 =	simm.s32 $0x3  }
.LBB2_1:
0xf: {  	[tilespmem:s2], [sflag:$0x3] =	stream.linear.gather [hbm4b:s5+s2], $0x200, $0x38;
	[tilespmem:$0x4600] =	vst v63  }
0x10: {  	_ =	swait.ge [sflag:s9], $0x200  }
0x11: {  	[sflag:s9] =	ssyncset.done $0x0  }
0x12: {  	[sflag:s9] =	ssyncadd.s32 $0xFFFFFE00  }
0x13: {  	[tilespmem:s10], [sflag:$0x3] =	stream.linear.gather [hbm4b:s6+s2], $0x200, $0x38;
	[tilespmem:$0x4600] =	vst v63  }
0x14: {  	_ =	swait.ge [sflag:s9], $0x200  }
0x15: {  	[sflag:s9] =	ssyncset.done $0x0  }
0x16: {  	s28 =	simm.s32 $0x400;
	[sflag:s9] =	ssyncadd.s32 $0xFFFFFE00  }
0x17: {  	[tilespmem:s28], [sflag:$0x1] =	stream.indirect.gather [hbm4b:s3+s11], $0x10, s2, s11, $0xb8;
	[tilespmem:$0x4600] =	vst v63  }
0x18: {  	s29 =	simm.s32 $0x2400  }
0x19: {  	[tilespmem:s29], [sflag:$0x2] =	stream.indirect.gather [hbm4b:s4+s11], $0x10, s10, s11, $0xb8;
	[tilespmem:$0x4600] =	vst v63  }
0x1a: {  	s0 =	simm.s32 $0xC00  }
0x1b: {  	[tilespmem:s0], [sflag:$0x1] =	stream.indirect.gather [hbm4b:s3+s11], $0x10, s11, s11, $0xb8;
	[tilespmem:$0x4600] =	vst v63  }
0x1c: {  	s15 =	simm.s32 $0x280;
	s1 =	simm.s32 $0x2C00  }
0x1d: {  	[tilespmem:s1], [sflag:$0x2] =	stream.indirect.gather [hbm4b:s4+s11], $0x10, s15, s11, $0xb8;
	[tilespmem:$0x4600] =	vst v63  }
0x1e: {  	s31 =	simm.s32 $0x100  }
0x1f: {  	[tilespmem:s16], [sflag:$0x1] =	stream.indirect.gather [hbm4b:s3+s11], $0x10, s31, s11, $0xb8;
	[tilespmem:$0x4600] =	vst v63  }
0x20: {  	_ = 	snop  }
0x21: {  	[tilespmem:s18], [sflag:$0x2] =	stream.indirect.gather [hbm4b:s4+s11], $0x10, s17, s11, $0xb8;
	[tilespmem:$0x4600] =	vst v63  }
0x22: {  	_ = 	snop  }
0x23: {  	[tilespmem:s20], [sflag:$0x1] =	stream.indirect.gather [hbm4b:s3+s11], $0x10, s19, s11, $0xb8;
	[tilespmem:$0x4600] =	vst v63  }
0x24: {  	_ = 	snop  }
0x25: {  	[tilespmem:s22], [sflag:$0x2] =	stream.indirect.gather [hbm4b:s4+s11], $0x10, s21, s11, $0xb8;
	[tilespmem:$0x4600] =	vst v63  }
0x26: {  	_ =	swait.ge [sflag:s23], $0x800  }
0x27: {  	[sflag:s23] =	ssyncset.done $0x0  }
0x28: {  	[sflag:s23] =	ssyncadd.s32 $0xFFFFF800  }
0x29: {  	_ =	swait.ge [sflag:s24], $0x800  }
0x2a: {  	[sflag:s24] =	ssyncset.done $0x0  }
0x2b: {  	[sflag:s24] =	ssyncadd.s32 $0xFFFFF800  }
0x2c: {  	_ =	swait.ge [sflag:s23], $0x800  }
0x2d: {  	[sflag:s23] =	ssyncset.done $0x0  }
0x2e: {  	[sflag:s23] =	ssyncadd.s32 $0xFFFFF800  }
0x2f: {  	_ =	swait.ge [sflag:s24], $0x800  }
0x30: {  	[sflag:s24] =	ssyncset.done $0x0  }
0x31: {  	[sflag:s24] =	ssyncadd.s32 $0xFFFFF800  }
0x32: {  	_ =	swait.ge [sflag:s23], $0x800  }
0x33: {  	[sflag:s23] =	ssyncset.done $0x0  }
0x34: {  	[sflag:s23] =	ssyncadd.s32 $0xFFFFF800  }
0x35: {  	_ =	swait.ge [sflag:s24], $0x800  }
0x36: {  	[sflag:s24] =	ssyncset.done $0x0  }
0x37: {  	[sflag:s24] =	ssyncadd.s32 $0xFFFFF800  }
0x38: {  	_ =	swait.ge [sflag:s23], $0x800  }
0x39: {  	[sflag:s23] =	ssyncset.done $0x0  }
0x3a: {  	[sflag:s23] =	ssyncadd.s32 $0xFFFFF800  }
0x3b: {  	_ =	swait.ge [sflag:s24], $0x800  }
0x3c: {  	[sflag:s24] =	ssyncset.done $0x0  }
0x3d: {  	s30 =	simm.s32 $0x0;
	[sflag:s24] =	ssyncadd.s32 $0xFFFFF800  }
.LBB2_2:
0x3e: {  	v1 =	vld [tilespmem:s28+$0x0]  }
0x3f: {  	v2 =	vld [tilespmem:s29+$0x0];
	_ =	sdelay $0x3  }
0x40: {  	v3 =	vunpack.i.u.bf16.f32 v1  }
0x41: {  	v1 =	vunpack.i.l.bf16.f32 v1;
	v4 =	vunpack.i.u.bf16.f32 v2;
	v2 =	vunpack.i.l.bf16.f32 v2  }
0x42: {  	v1 =	vmul.f32 v2, v1;
	v2 =	vmul.f32 v4, v3;
	_ =	sdelay $0x1  }
0x43: {  	s1 =	sadd.s32 $0x10, s29;
	v1 =	vadd.f32 v1, v2  }
0x44: {  	s0 =	sadd.s32 $0x10, s28;
	v3 =	vld [tilespmem:s1+$0x0]  }
0x45: {  	s12 =	sadd.s32 $0x10, s1;
	v2 =	vld [tilespmem:s0+$0x0];
	(xrf2) =	vadd.scan.msk.f32 $0xffff, v1  }
0x46: {  	v4 =	vld [tilespmem:s12+$0x0];
	s0 =	sadd.s32 $0x10, s0  }
0x47: {  	v1 =	vld [tilespmem:s0+$0x0];
	_ =	sdelay $0x1  }
0x48: {  	v6 =	vunpack.i.u.bf16.f32 v3  }
0x49: {  	v3 =	vunpack.i.l.bf16.f32 v3;
	v5 =	vunpack.i.u.bf16.f32 v2;
	v2 =	vunpack.i.l.bf16.f32 v2  }
0x4a: {  	v7 =	vunpack.i.u.bf16.f32 v4;
	v2 =	vmul.f32 v3, v2;
	v3 =	vmul.f32 v6, v5  }
0x4b: {  	v4 =	vunpack.i.l.bf16.f32 v4;
	v5 =	vunpack.i.u.bf16.f32 v1;
	v1 =	vunpack.i.l.bf16.f32 v1  }
0x4c: {  	v1 =	vmul.f32 v4, v1;
	v4 =	vmul.f32 v7, v5;
	v2 =	vadd.f32 v2, v3;
	_ =	sdelay $0x1  }
0x4d: {  	s14 =	sadd.s32 $0x10, s0;
	v7 =	vadd.f32 v1, v4;
	v3, _, _ =	vpop (xrf2);
	(xrf2) =	vadd.scan.msk.f32 $0xffff, v2  }
0x4e: {  	s12 =	sadd.s32 $0x10, s12;
	v6 =	vld [tilespmem:s14+$0x0]  }
0x4f: {  	v2 =	vbroadcast v3, $0xF;
	v3 =	vld [tilespmem:s12+$0x0];
	(xrf2) =	vadd.scan.msk.f32 $0xffff, v7  }
0x50: {  	s15 =	simm.s32 $0x0  }
0x51: {  	v8 =	vmov s15  }
0x52: {  	s31 =	simm.s32 $0x2;
	s13 =	simm.s32 $0x4;
	vm0 =	veq.s32 v8, v0  }
0x53: {  	s1 =	simm.s32 $0x1;
	s0 =	simm.s32 $0x3;
	s14 =	sadd.s32 $0x10, s14;
	v1 =	vimm.f32 $0.0e+00;
	v4 =	vunpack.i.u.bf16.f32 v6;
	v5 =	vunpack.i.l.bf16.f32 v6  }
.LBB2_3:
0x54: {  	v6 =	vld [tilespmem:s14+$0x0];
	v7 =	vunpack.i.u.bf16.f32 v3;
	v8 =	vunpack.i.l.bf16.f32 v3;
	s12 =	sadd.s32 $0x10, s12;
	v1 =	vsel vm0, v2, v1;
	s15 =	smov.u32 s13;
	p0 =	sne.s32 s13, $0xF  }
.Ltmp0:
0x55: {  	s13 =	sadd.s32 $0x1, s13;
	v3 =	vld [tilespmem:s12+$0x0];
	v5 =	vmul.f32 v8, v5;
	v4 =	vmul.f32 v7, v4;
	(pc) =	sbr.rel @p0 .LBB2_3-.Ltmp0, $4  }
0x56: {  	_ = 	snop  }
0x57: {  	v7 =	vadd.f32 v5, v4;
	v2, _, _ =	vpop (xrf2)  }
0x58: {  	v8 =	vmov s1;
	s1 =	smov.u32 s31;
	s31 =	smov.u32 s0;
	s0 =	smov.u32 s15;
	v2 =	vbroadcast v2, $0xF  }
0x59: {  	s14 =	sadd.s32 $0x10, s14;
	vm0 =	veq.s32 v8, v0;
	v4 =	vunpack.i.u.bf16.f32 v6;
	v5 =	vunpack.i.l.bf16.f32 v6;
	(xrf2) =	vadd.scan.msk.f32 $0xffff, v7  }
0x5a: {  	v6 =	vunpack.i.u.bf16.f32 v3;
	v3 =	vunpack.i.l.bf16.f32 v3  }
0x5b: {  	v3 =	vmul.f32 v3, v5;
	v4 =	vmul.f32 v6, v4;
	_ =	sdelay $0x1  }
0x5c: {  	v3 =	vadd.f32 v3, v4;
	_ =	sdelay $0x1  }
0x5d: {  	(xrf2) =	vadd.scan.msk.f32 $0xffff, v3;
	_ =	sdelay $0x4  }
0x5e: {  	v3, _, _ =	vpop (xrf2)  }
0x5f: {  	v62 =	vmov s1;
	v3 =	vbroadcast v3, $0xF  }
0x60: {  	v1 =	vsel vm0, v2, v1;
	vm13 =	veq.s32 v62, v0  }
0x61: {  	v1 =	vsel vm13, v3, v1;
	v3 =	vmov s31;
	s31 =	sshll.u32 s30, $0x4;
	s30 =	sadd.s32 $0x1, s30  }
0x62: {  	v2, _, _ =	vpop (xrf2);
	p0 =	sne.s32 s30, $0x20  }
.Ltmp1:
0x63: {  	v2 =	vbroadcast v2, $0xF;
	v63, _, _ =	vpop (xrf2);
	(pc) =	sbr.rel @p0 .LBB2_2-.Ltmp1, $4  }
0x64: {  	vm14 =	veq.s32 v3, v0;
	v3 =	vmov s0;
	v4 =	vbroadcast v63, $0xF  }
0x65: {  	v1 =	vsel vm14, v2, v1;
	vm15 =	veq.s32 v3, v0  }
0x66: {  	s0 =	sand.u32 $0x3FFFFFF0, s31;
	v1 =	vsel vm15, v4, v1  }
0x67: {  	s29 =	sadd.s32 $0x100, s29;
	s28 =	sadd.s32 $0x100, s28;
	[tilespmem:s0+$0x4400] =	vst v1  }
0x68: {  	s26 =	sadd.s32 $0x1, s26  }
0x69: {  	p0 =	sne.s32 s26, s8  }
.Ltmp2:
0x6a: {  	_ = 	snop;
	(pc) =	sbr.rel @p0 .LBB2_1-.Ltmp2, $4  }
0x6b: {  	[hbm4b:s7+s2] =	stream.linear.scatter [tilespmem:s25], [sflag:$0x3], $0x200, $0x38;
	[tilespmem:$0x4600] =	vst v63  }
0x6c: {  	_ =	swait.ge [sflag:s9], $0x200  }
0x6d: {  	[sflag:s9] =	ssyncset.done $0x0  }
0x6e: {  	[sflag:s9] =	ssyncadd.s32 $0xFFFFFE00  }
0x6f: {  	_ =	sfence.sel $0x180000  }
0x70: {  	[bflag:$0x0] =	sbarrier.arrive $0xFFFF  }
0x71: {  	_ =	strace $0x90000053  }
0x72: {  	s0 =	stileid.u32;
	[bflag:$0x2] =	sbarrier.arrive $0xFFFF  }
0x73: {  	p0 =	sne.s32 s0, $0x0;
	s0 =	rddreg [dreg:$0x4]  }
0x74: {  	s0 =	sadd.s32 @!p0 $0x100000, s0  }
0x75: {  	[sflag:s0] =	ssyncadd.tile.s32 @!p0 $0x1;
	_ =	shalt  }
.Lfunc_end2:
_tile_overlayer_lowered:
.L_overlay_start_2:
0x76: {  	(tag) =	ssettag $0x2  }
0x77: {  	s0 =	rddreg [dreg:$0x0];
	s2 =	stileid.u32  }
0x78: {  	s1 =	rddreg [dreg:$0x1];
	p0 =	sne.s32 s2, $0x0  }
0x79: {  	s3 =	rddreg [dreg:$0x2];
	[bflag:$0x3] =	sbarrier.arrive $0xFFFF;
	s2 =	simm.s32 @!p0 $0x1C03  }
0x7a: {  	[timem:s3], [sflag:s2] =	dma.local @!p0 [hbm:s0], s1  }
0x7b: {  	s0 =	simm.s32 @!p0 $0x3  }
0x7c: {  	_ =	swait.ge @!p0 [sflag:s0], s1  }
0x7d: {  	s1 =	ssub.s32 @!p0 $0x0, s1;
	[sflag:s0] =	ssyncset.done @!p0 $0x0  }
0x7e: {  	[sflag:s0] =	ssyncadd.s32 @!p0 s1  }
0x7f: {  	[bflag:$0x3] =	sbarrier.arrive $0xFFFF  }
0x80: {  	_ =	shalt  }

// kernel: sparse-core-data-format-call.1.cloned.1.call-start
scs
called_computation.1_lowered:
.L_overlay_start_0:
0x0: {  	s1 =	sld [smem:$0x3FD9]  }
0x1: {  	s2 =	sld [smem:$0x3FFE];
	_ =	sdelay $0x1  }
0x2: {  	s3 =	srdreg.scid  }
0x3: {  	s0 =	sand.u32 $0x1, s3  }
0x4: {  	s17 =	sshll.u32 s0, $0xA;
	s1 =	sadd.s32 s2, s1  }
0x5: {  	s1 =	sadd.s32 s1, s17  }
0x6: {  	[smem:$0x3FC4] =	sst s1  }
0x7: {  	_ = 	snop  }
0x8: {  	(tm) =	ssettm $0x1  }
0x9: {  	s18 =	sld [smem:$0x3FFB];
	_ =	sdelay $0x3  }
0xa: {  	_ =	strace s18  }
0xb: {  	s1 =	sld [smem:$0x3FFC];
	_ =	sdelay $0x3  }
0xc: {  	_ =	strace s1  }
0xd: {  	s1 =	sld [smem:$0x3FFD];
	_ =	sdelay $0x3  }
0xe: {  	_ =	strace s1  }
0xf: {  	_ =	strace $0x8FFFFFFF  }
0x10: {  	s19 =	sld [smem:$0x3FDB];
	_ =	sdelay $0x1  }
0x11: {  	s20 =	simm.s32 $_scs_section_size  }
0x12: {  	s4 =	simm.s32 $_size__tile_overlayer_lowered;
	s5 =	simm.s32 $_tile_overlayer_lowered  }
0x13: {  	s23 =	simm.s32 $0x1BFF;
	s22 =	sshll.u32 s5, $0x1;
	s1 =	sadd.s32 s20, s19  }
0x14: {  	s6 =	simm.s32 $0x0;
	s21 =	sshll.u32 s4, $0x1;
	s4 =	sadd.s32 s22, s1  }
0x15: {  	[timem:s6], [sflag:s23] =	dma.local [hbm:s4], s21  }
0x16: {  	_ =	swait.ge [sflag:s23], s21  }
0x17: {  	s2 =	ssub.s32 $0x0, s21;
	[sflag:s23] =	ssyncset.done $0x0  }
0x18: {  	[sflag:s23] =	ssyncadd.s32 s2;
	_ =	sdelay $0x1  }
0x19: {  	s24 =	simm.s32 $0x1B8B  }
0x1a: {  	_ =	swait.ge [sflag:s24], $0x1  }
0x1b: {  	[sflag:s24] =	ssyncset.done $0x0  }
0x1c: {  	s26 =	simm.s32 $0x1B8E;
	s25 =	sld [smem:$0x3FFE];
	[sflag:s24] =	ssyncadd.s32 $0xFFFFFFFF  }
0x1d: {  	s27 =	simm.s32 $execute0_lowered;
	[smem:$0x3FD2] =	sst s26  }
0x1e: {  	s4 =	sshll.u32 s27, $0x1;
	_ =	strace $0x80000046;
	[dreg:$0x1] =	wrdreg $0xFFFFFFFF  }
0x1f: {  	s28 =	simm.s32 $_size_execute0_lowered;
	s1 =	sadd.s32 s1, s4;
	[dreg:$0x0] =	wrdreg $0x0  }
0x20: {  	s4 =	sshll.u32 s28, $0x1;
	[dreg:$0x2] =	wrdreg s1  }
0x21: {  	[dreg:$0x3] =	wrdreg s4  }
0x22: {  	[dreg:$0x4] =	wrdreg $0xC0  }
0x23: {  	_ =	task [dreg:s6], $0x5FFFF  }
0x24: {  	[dreg:$0x1] =	wrdreg $0xFFFFFFFF  }
0x25: {  	[dreg:$0x0] =	wrdreg $0x60  }
0x26: {  	[dreg:$0x2] =	wrdreg s25  }
0x27: {  	[dreg:$0x3] =	wrdreg $0x9  }
0x28: {  	_ =	task.clear_ibuf [dreg:s6], $0x4FFFF;
	_ =	strace $0x90000046  }
0x29: {  	s29 =	simm.s32 $0x9;
	_ =	strace $0x80000048  }
0x2a: {  	_ =	swait.ge [sflag:s29], $0x1  }
0x2b: {  	[sflag:s29] =	ssyncadd.s32 $0xFFFFFFFF  }
0x2c: {  	_ =	strace $0x90000048  }
0x2d: {  	_ =	sfence  }
0x2e: {  	s30 =	sld [smem:$0x0];
	_ =	sdelay $0x2  }
0x2f: {  	s31 =	sshll.u32 s3, $0xD;
	s3 =	sshrl.u32 s3, $0x2  }
0x30: {  	s2 =	sand.u32 $0x4000, s31;
	s1 =	sadd.s32 s3, s30  }
0x31: {  	s0 =	sor.u32 s2, s0;
	s1 =	sshll.u32 s1, $0x11  }
0x32: {  	s0 =	sor.u32 s1, s0  }
0x33: {  	s0 =	sadd.s32 $0x8F2B, s0  }
0x34: {  	[sflag:s0] =	ssyncadd.remote.s32 $0x1  }
0x35: {  	_ =	sfence.sel $0xFFFF  }
0x36: {  	[dreg:$0x0] =	wrdreg $0xFFFFFFFF;
	(pc) =	sbr.abs _section_cstart, $3  }
0x37: {  	[dreg:$0x1] =	wrdreg $0xFFFFFFFF  }
0x38: {  	_ =	task.clear_ibuf [dreg:s6], $0x2FFFF;
	_ =	strace $0x9FFFFFFF  }
0x39: {  	(tm) =	ssettm $0x7FFFFFFF  }
tec
execute0_lowered:
.L_overlay_start_1:
0x0: {  	(tag) =	ssettag $0x1  }
0x1: {  	s0 =	srdreg.scid  }
0x2: {  	s5 =	rddreg [dreg:$0x0];
	s1 =	stileid.u32;
	s4 =	simm.s32 $0x1  }
0x3: {  	s6 =	simm.s32 $0x2;
	s15 =	simm.s32 $0x0;
	p0 =	por $0x0, $0x0  }
0x4: {  	s8 =	simm.s32 $0x80;
	s14 =	simm.s32 $0x0;
	s2 =	sshll.u32 s0, $0x4  }
0x5: {  	s9 =	simm.s32 $0x0;
	s10 =	simm.s32 $0x0;
	s2 =	sand.u32 $0x10, s2  }
.Ltmp0:
0x6: {  	s12 =	simm.s32 $0x0;
	s3 =	sor.u32 s1, s2;
	(pc) =	sbr.rel .LBB1_1-.Ltmp0, $4  }
0x7: {  	s0 =	rddreg [dreg:$0x1];
	_ =	strace $0x80000047;
	s3 =	sshll.u32 s3, $0x7  }
0x8: {  	s13 =	simm.s32 $0x0;
	[sflag:s4] =	ssyncpa.u1 $0x0;
	s7 =	ssub.s32 $0xF4200, s3  }
0x9: {  	s2 =	sadd.s32 $0x1400, s5;
	[sflag:s6] =	ssyncpa.u1 $0x0;
	s6 =	sshrl.u32 s7, $0xC  }
0xa: {  	s5 =	sadd.s32 $0x1E9A00, s5;
	s11 =	smov.u32 s3;
	s7 =	sadd.s32 $0x2, s6  }
.LBB1_5:
0xb: {  	p1 =	slt.u32 s13, $0x2  }
0xc: {  	s17 =	smov.u32 s15;
	p2 =	sgt.s32 @!p1 s15, $0xF41C0;
	s16 =	sshra.s32 @!p1 s15, $0x1F  }
0xd: {  	p3 =	sgt.s32 @!p1 s14, $0x60;
	s18 =	sshra.s32 @!p1 s14, $0x1F;
	p2 =	por !p2, p1  }
0xe: {  	s15 =	sand.u32 @!p1 s16, s15;
	p3 =	por !p3, p1;
	s16 =	smov.u32 s14  }
0xf: {  	s14 =	sand.u32 @!p1 s18, s14;
	s17 =	simm.s32 @p2 $0xF41C0;
	s16 =	simm.s32 @p3 $0x60  }
0x10: {  	s15 =	ssub.s32 @!p1 s17, s15;
	s14 =	ssub.s32 @!p1 s16, s14  }
0x11: {  	s18 =	smov.u32 s12;
	s16 =	sadd.s32 @!p1 $0xFFF0BE40, s15;
	s17 =	sadd.s32 @!p1 $0xFFFFFFA0, s14  }
0x12: {  	s15 =	ssub.s32 @!p1 $0xF4240, s15;
	p2 =	sgt.s32 @!p1 s16, $0x7F;
	p3 =	sgt.s32 @!p1 s17, $0x1F  }
0x13: {  	s14 =	ssub.s32 @!p1 $0x80, s14;
	p2 =	por !p2, p1;
	p3 =	por !p3, p1  }
0x14: {  	s16 =	sadd.s32 $0x1000, s11;
	s15 =	simm.s32 @!p2 $0x0;
	s14 =	simm.s32 @!p3 $0x0  }
0x15: {  	p2 =	sgt.s32 s16, $0xF423F;
	s14 =	smul.u32 @!p1 s14, s15;
	s15 =	sadd.s32 $0x20, s12  }
0x16: {  	s18 =	smov.u32 @p2 s15  }
0x17: {  	s16 =	smov.u32 @p2 s3;
	p2 =	sgt.s32 s18, $0x1F  }
0x18: {  	p0 =	por !p0, !p0;
	s18 =	simm.s32 @p2 $0x0;
	p2 =	sne.s32 s13, s7  }
.Ltmp1:
0x19: {  	s17 =	simm.s32 @!p1 $0x2;
	s14 =	sshrl.u32 @!p1 s14, $0x1;
	(pc) =	sbr.rel @!p2 .LBB1_6-.Ltmp1, $4  }
0x1a: {  	s15 =	smov.u32 s9;
	s9 =	smov.u32 s11;
	s14 =	sand.u32 @!p1 $0x3FFFFFFF, s14  }
0x1b: {  	s11 =	smov.u32 s16;
	s13 =	sadd.s32 $0x1, s13;
	_ =	swait.ge @!p1 [sflag:s17], s14  }
0x1c: {  	s19 =	ssub.s32 @!p1 $0x0, s14;
	s14 =	smov.u32 s10;
	[sflag:s17] =	ssyncset.done @!p1 $0x0  }
0x1d: {  	s10 =	smov.u32 s12;
	s12 =	smov.u32 s18;
	[sflag:s17] =	ssyncadd.s32 @!p1 s19  }
.LBB1_1:
0x1e: {  	p1 =	sgt.u32 s13, s6  }
0x1f: {  	s16 =	sshrl.u32 @!p1 s12, $0x3  }
0x20: {  	s17 =	sshll.u32 @!p1 s11, $0x3;
	s16 =	smul.u32 @!p1 $0x7A1400, s16  }
0x21: {  	s18 =	sshll.u32 @!p1 s12, $0x7;
	s17 =	sand.u32 @!p1 $0xFFFFFC00, s17  }
0x22: {  	s16 =	sadd.s32 @!p1 s16, s17;
	s17 =	sand.u32 @!p1 $0x300, s18;
	s18 =	sshll.u32 @!p1 s11, $0x1  }
0x23: {  	s16 =	sor.u32 @!p1 s17, s16;
	s17 =	sand.u32 @!p1 $0xFE, s18  }
0x24: {  	s18 =	sand.u32 @!p1 $0x1, s12;
	s16 =	sor.u32 @!p1 s17, s16  }
0x25: {  	s17 =	sor.u32 @!p1 s18, s16  }
0x26: {  	s18 =	smulhi.u32 @!p1 $0x218D6287, s17;
	_ =	sdelay $0x1  }
0x27: {  	s16 =	smulhi.u32 @!p1 $0x218D6287, s16;
	s18 =	sshrl.u32 @!p1 s18, $0x11  }
0x28: {  	s18 =	smul.u32 @!p1 $0xF4280, s18  }
0x29: {  	s16 =	sshrl.u32 @!p1 s16, $0x11  }
0x2a: {  	s16 =	sand.u32 @!p1 $0x1F, s16;
	s17 =	ssub.s32 @!p1 s17, s18  }
0x2b: {  	s16 =	smul.u32 @!p1 $0xF428, s16;
	s18 =	sshrl.u32 @!p1 s17, $0x4  }
0x2c: {  	s19 =	sxor.u32 @!p1 $0xFFFFFFFF, s13;
	s17 =	sshll.u32 @!p1 s17, $0x11;
	s18 =	sadd.s32 @!p1 s2, s18  }
0x2d: {  	s17 =	sand.u32 @!p1 $0x1C0000, s17;
	s16 =	sadd.s32 @!p1 s16, s18;
	s18 =	sshll.u32 @!p1 s19, $0xB  }
0x2e: {  	s17 =	sor.u32 @!p1 $0x200, s17;
	s19 =	simm.s32 @!p1 $0x3D0A00;
	s18 =	sand.u32 @!p1 $0x800, s18  }
0x2f: {  	[tilespmem:s18], [sflag:$0x1] =	stream.strided.gather @!p1 [hbm4b:s16+s17], $0x800, s19, s17, $0x38;
	[tilespmem:$0x2080] =	vst v63  }
0x30: {  	p1 =	seq.s32 s13, $0x0  }
0x31: {  	p2 =	sge.u32 @!p1 s13, s7  }
0x32: {  	p1 =	por p1, p2  }
.Ltmp2:
0x33: {  	_ = 	snop;
	(pc) =	sbr.rel @p1 .LBB1_5-.Ltmp2, $1  }
0x34: {  	_ =	sdelay $0x3  }
0x35: {  	s16 =	simm.s32 $0x1  }
0x36: {  	_ =	swait.ge [sflag:s4], $0x800;
	s16 =	simm.s32 @!p0 $0x0  }
0x37: {  	[sflag:s4] =	ssyncset.done $0x0;
	s16 =	sshll.u32 s16, $0xB  }
0x38: {  	[sflag:s4] =	ssyncadd.s32 $0xFFFFF800;
	s16 =	sor.u32 $0x40, s16  }
0x39: {  	v0 =	vld [tilespmem:s16+$0x20]  }
0x3a: {  	v1 =	vld [tilespmem:s16+$0x30]  }
0x3b: {  	v2 =	vld [tilespmem:s16+$0xFFFFFFD0]  }
0x3c: {  	v5 =	vld [tilespmem:s16+$0x0]  }
0x3d: {  	v6 =	vld [tilespmem:s16+$0x10]  }
0x3e: {  	s17 =	sand.u32 $0x1, s13;
	v3 =	vld [tilespmem:s16+$0xFFFFFFE0]  }
0x3f: {  	s17 =	smul.u32 $0x2100, s17;
	v4 =	vld [tilespmem:s16+$0xFFFFFFF0]  }
0x40: {  	s18 =	simm.s32 $0x0;
	v1 =	vperm.xlane.i2c.b16 v1  }
0x41: {  	s19 =	sand.u32 $0x1C, s18;
	s17 =	sshrl.u32 s17, $0x2;
	v8 =	vld [tilespmem:s16+$0xFFFFFFC0];
	s20 =	sadd.s32 $0x80, s16;
	v7 =	vperm.xlane.i2c.b16 v0;
	v0 =	vperm.xlane.i2c.b16 v2  }
0x42: {  	s30 =	sand.u32 $0x20, s18;
	s31 =	sshrl.u32 s19, $0x1;
	s16 =	sor.u32 $0x1000, s17;
	v11 =	vld [tilespmem:s20+$0x30];
	v10 =	vperm.xlane.i2c.b16 v5;
	v13 =	vperm.xlane.i2c.b16 v6  }
0x43: {  	s17 =	sshrl.u32 s30, $0x1;
	s18 =	sadd.s32 s31, s16;
	v2 =	vld [tilespmem:s20+$0x20];
	v3 =	vperm.xlane.i2c.b16 v3;
	v9 =	vcombine.low v7, v1  }
0x44: {  	v12 =	vld [tilespmem:s20+$0xFFFFFFD0];
	s17 =	sadd.s32 s17, s18;
	v4 =	vperm.xlane.i2c.b16 v4;
	v14 =	vcombine.low v10, v13  }
0x45: {  	v1 =	vcombine.high v7, v1;
	v7 =	vld [tilespmem:s20+$0xFFFFFFE0];
	[tilespmem:s17+$0x630 ss:$0x21] =	vst.msk $0xffff, v9  }
0x46: {  	v6 =	vld [tilespmem:s20+$0xFFFFFFF0];
	v5 =	vperm.xlane.i2c.b16 v8;
	v9 =	vcombine.low v3, v4;
	[tilespmem:s17+$0x420 ss:$0x21] =	vst.msk $0xffff, v14  }
0x47: {  	s18 =	simm.s32 $0x4;
	v8 =	vperm.xlane.i2c.b16 v11;
	[tilespmem:s17+$0x631 ss:$0x21] =	vst.msk $0xffff, v1;
	v1 =	vcombine.high v3, v4;
	v4 =	vld [tilespmem:s20+$0x0]  }
0x48: {  	s19 =	simm.s32 $0x2;
	s22 =	sand.u32 $0x1C, s18;
	v10 =	vcombine.high v10, v13;
	v3 =	vld [tilespmem:s20+$0x10];
	[tilespmem:s17+$0x210 ss:$0x21] =	vst.msk $0xffff, v9;
	v9 =	vperm.xlane.i2c.b16 v2  }
0x49: {  	s21 =	sand.u32 $0x20, s18;
	s22 =	sshrl.u32 s22, $0x1;
	v11 =	vcombine.low v5, v0;
	v2 =	vld [tilespmem:s20+$0xFFFFFFC0];
	s20 =	sadd.s32 $0x80, s20;
	[tilespmem:s17+$0x211 ss:$0x21] =	vst.msk $0xffff, v1;
	v1 =	vperm.xlane.i2c.b16 v12  }
.LBB1_3:
0x4a: {  	v12 =	vld [tilespmem:s20+$0x20];
	s22 =	sadd.s32 s22, s16;
	s21 =	sshrl.u32 s21, $0x1;
	v13 =	vperm.xlane.i2c.b16 v7;
	v7 =	vcombine.low v9, v8;
	[tilespmem:s17+$0x421 ss:$0x21] =	vst.msk $0xffff, v10  }
0x4b: {  	s19 =	sadd.s32 $0x2, s19;
	v14 =	vld [tilespmem:s20+$0x30];
	s21 =	sadd.s32 s21, s22;
	v10 =	vperm.xlane.i2c.b16 v6;
	v6 =	vcombine.high v9, v8;
	[tilespmem:s17+$0x0 ss:$0x21] =	vst.msk $0xffff, v11  }
0x4c: {  	p1 =	slt.u32 s19, $0x1E;
	v11 =	vld [tilespmem:s20+$0xFFFFFFD0];
	v8 =	vperm.xlane.i2c.b16 v4;
	[tilespmem:s21+$0x630 ss:$0x21] =	vst.msk $0xffff, v7;
	v4 =	vcombine.high v5, v0;
	v0 =	vmov v1  }
.Ltmp3:
0x4d: {  	v7 =	vld [tilespmem:s20+$0xFFFFFFE0];
	v1 =	vcombine.low v13, v10;
	v3 =	vperm.xlane.i2c.b16 v3;
	[tilespmem:s21+$0x631 ss:$0x21] =	vst.msk $0xffff, v6;
	(pc) =	sbr.rel @p1 .LBB1_3-.Ltmp3, $4  }
0x4e: {  	v6 =	vld [tilespmem:s20+$0xFFFFFFF0];
	v5 =	vperm.xlane.i2c.b16 v2;
	v2 =	vcombine.high v13, v10;
	[tilespmem:s17+$0x1 ss:$0x21] =	vst.msk $0xffff, v4;
	s17 =	smov.u32 s21  }
0x4f: {  	s18 =	sadd.s32 $0x4, s18;
	v4 =	vld [tilespmem:s20+$0x0];
	[tilespmem:s17+$0x210 ss:$0x21] =	vst.msk $0xffff, v1;
	v13 =	vcombine.low v8, v3;
	v10 =	vcombine.high v8, v3  }
0x50: {  	s22 =	sand.u32 $0x1C, s18;
	v9 =	vperm.xlane.i2c.b16 v12;
	v3 =	vld [tilespmem:s20+$0x10];
	v8 =	vperm.xlane.i2c.b16 v14;
	[tilespmem:s17+$0x211 ss:$0x21] =	vst.msk $0xffff, v2  }
0x51: {  	s22 =	sshrl.u32 s22, $0x1;
	s21 =	sand.u32 $0x20, s18;
	v2 =	vld [tilespmem:s20+$0xFFFFFFC0];
	v1 =	vperm.xlane.i2c.b16 v11;
	s20 =	sadd.s32 $0x80, s20;
	v11 =	vcombine.low v5, v0;
	[tilespmem:s17+$0x420 ss:$0x21] =	vst.msk $0xffff, v13  }
0x52: {  	s18 =	sadd.s32 s22, s16;
	s19 =	sshll.u32 s9, $0x7;
	s20 =	sshll.u32 s10, $0x3  }
0x53: {  	s21 =	sshrl.u32 s21, $0x1;
	s24 =	sshll.u32 s10, $0x1;
	p1 =	sgt.s32 s9, $0xF41C0  }
0x54: {  	s22 =	smov.u32 s9;
	s26 =	sshra.s32 s9, $0x1F;
	s23 =	sand.u32 $0xFFFFFC00, s19  }
0x55: {  	s20 =	sand.u32 $0xFFFFFC00, s20;
	s19 =	sand.u32 $0x300, s19;
	s25 =	sand.u32 $0x80, s24  }
0x56: {  	s18 =	sadd.s32 s21, s18;
	s22 =	simm.s32 @!p1 $0xF41C0;
	p1 =	sgt.s32 s10, $0x60  }
0x57: {  	s21 =	smov.u32 s10;
	s20 =	sadd.s32 s20, s23;
	s23 =	sshra.s32 s10, $0x1F  }
0x58: {  	s21 =	simm.s32 @!p1 $0x60;
	s19 =	sor.u32 s19, s20;
	s20 =	sand.u32 s26, s9  }
0x59: {  	v7 =	vperm.xlane.i2c.b16 v7;
	[tilespmem:s17+$0x421 ss:$0x21] =	vst.msk $0xffff, v10;
	v0 =	vcombine.high v5, v0;
	s23 =	sand.u32 s23, s10;
	s19 =	sor.u32 s25, s19;
	s20 =	ssub.s32 s22, s20  }
0x5a: {  	v57 =	vcombine.low v9, v8;
	v6 =	vperm.xlane.i2c.b16 v6;
	[tilespmem:s17+$0x0 ss:$0x21] =	vst.msk $0xffff, v11;
	s21 =	ssub.s32 s21, s23;
	s19 =	sshrl.u32 s19, $0x7;
	s22 =	sadd.s32 $0xFFF0BE40, s20  }
0x5b: {  	v58 =	vcombine.high v9, v8;
	v4 =	vperm.xlane.i2c.b16 v4;
	[tilespmem:s17+$0x1 ss:$0x21] =	vst.msk $0xffff, v0;
	s23 =	sadd.s32 $0xFFFFFFA0, s21;
	s20 =	ssub.s32 $0xF4240, s20;
	s21 =	ssub.s32 $0x80, s21  }
0x5c: {  	[tilespmem:s18+$0x630 ss:$0x21] =	vst.msk $0xffff, v57;
	v59 =	vcombine.low v7, v6;
	v3 =	vperm.xlane.i2c.b16 v3;
	s27 =	smulhi.u32 $0x218DEF5, s19;
	p1 =	sgt.s32 s22, $0x7F;
	p2 =	sgt.s32 s23, $0x1F  }
0x5d: {  	[tilespmem:s18+$0x631 ss:$0x21] =	vst.msk $0xffff, v58;
	v60 =	vcombine.high v7, v6;
	s20 =	simm.s32 @p1 $0x0;
	s21 =	simm.s32 @p2 $0x0  }
0x5e: {  	v2 =	vperm.xlane.i2c.b16 v2;
	[tilespmem:s18+$0x210 ss:$0x21] =	vst.msk $0xffff, v59;
	v61 =	vcombine.low v4, v3;
	s17 =	sshrl.u32 s27, $0xD;
	s20 =	smul.u32 s21, s20  }
0x5f: {  	v3 =	vcombine.high v4, v3;
	[tilespmem:s18+$0x211 ss:$0x21] =	vst.msk $0xffff, v60;
	s17 =	smul.u32 $0xF4240, s17  }
.Ltmp4:
0x60: {  	s28 =	sshrl.u32 s10, $0x3;
	s29 =	sand.u32 $0x7, s10;
	v62 =	vcombine.low v2, v1;
	[tilespmem:s18+$0x420 ss:$0x21] =	vst.msk $0xffff, v61;
	(pc) =	sbr.rel .LBB1_5-.Ltmp4, $4  }
0x61: {  	v63 =	vcombine.high v2, v1;
	[tilespmem:s18+$0x421 ss:$0x21] =	vst.msk $0xffff, v3;
	s21 =	sshll.u32 s29, $0x12;
	s17 =	ssub.s32 s19, s17;
	s19 =	sand.u32 $0x7, s28  }
0x62: {  	[tilespmem:s18+$0x0 ss:$0x21] =	vst.msk $0xffff, v62;
	s20 =	sshrl.u32 s20, $0x1;
	s17 =	sshll.u32 s17, $0x3;
	s19 =	sadd.s32 s5, s19  }
0x63: {  	[tilespmem:s18+$0x1 ss:$0x21] =	vst.msk $0xffff, v63;
	s31 =	sor.u32 $0x20, s21;
	s30 =	sand.u32 $0x3FFFFFFF, s20;
	s17 =	sadd.s32 s17, s19  }
0x64: {  	[hbm4b:s17+s31] =	stream.strided.scatter [tilespmem:s16], [sflag:$0x2], s30, s8, s31, $0x10;
	[tilespmem:$0x2080] =	vst v63  }
.LBB1_6:
0x65: {  	_ =	sfence.sel $0x180000  }
0x66: {  	s2 =	simm.s32 $0x1;
	[bflag:$0x0] =	sbarrier.arrive $0xFFFF  }
0x67: {  	s31 =	simm.s32 $0x2;
	[sflag:s2] =	ssyncpa.u1 $0x1  }
0x68: {  	[sflag:s31] =	ssyncpa.u1 $0x1  }
0x69: {  	p0 =	sne.s32 s1, $0x0;
	_ =	strace $0x90000047  }
0x6a: {  	s0 =	sadd.s32 @!p0 $0x100000, s0;
	[bflag:$0x2] =	sbarrier.arrive $0xFFFF  }
0x6b: {  	[sflag:s0] =	ssyncadd.tile.s32 @!p0 $0x1;
	_ =	shalt  }
.Lfunc_end1:
_tile_overlayer_lowered:
.L_overlay_start_2:
0x6c: {  	(tag) =	ssettag $0x2  }
0x6d: {  	s0 =	rddreg [dreg:$0x0];
	s2 =	stileid.u32  }
0x6e: {  	s1 =	rddreg [dreg:$0x1];
	p0 =	sne.s32 s2, $0x0  }
0x6f: {  	s3 =	rddreg [dreg:$0x2];
	[bflag:$0x3] =	sbarrier.arrive $0xFFFF;
	s2 =	simm.s32 @!p0 $0x1C01  }
0x70: {  	[timem:s3], [sflag:s2] =	dma.local @!p0 [hbm:s0], s1  }
0x71: {  	s0 =	simm.s32 @!p0 $0x1  }
0x72: {  	_ =	swait.ge @!p0 [sflag:s0], s1  }
0x73: {  	s1 =	ssub.s32 @!p0 $0x0, s1;
	[sflag:s0] =	ssyncset.done @!p0 $0x0  }
0x74: {  	[sflag:s0] =	ssyncadd.s32 @!p0 s1  }
0x75: {  	[bflag:$0x3] =	sbarrier.arrive $0xFFFF  }
0x76: {  	_ =	shalt  }

// kernel: sparse-core-data-format-call.2.cloned.1.call-start
scs
called_computation.2_lowered:
.L_overlay_start_0:
0x0: {  	s2 =	sld [smem:$0x3FD9]  }
0x1: {  	s3 =	sld [smem:$0x3FFE];
	_ =	sdelay $0x1  }
0x2: {  	s1 =	srdreg.scid  }
0x3: {  	s0 =	sand.u32 $0x1, s1  }
0x4: {  	s18 =	sshll.u32 s0, $0xA;
	s2 =	sadd.s32 s3, s2  }
0x5: {  	s2 =	sadd.s32 s2, s18  }
0x6: {  	[smem:$0x3FC4] =	sst s2  }
0x7: {  	_ = 	snop  }
0x8: {  	(tm) =	ssettm $0x1  }
0x9: {  	s19 =	sld [smem:$0x3FFB];
	_ =	sdelay $0x3  }
0xa: {  	_ =	strace s19  }
0xb: {  	s2 =	sld [smem:$0x3FFC];
	_ =	sdelay $0x3  }
0xc: {  	_ =	strace s2  }
0xd: {  	s2 =	sld [smem:$0x3FFD];
	_ =	sdelay $0x3  }
0xe: {  	_ =	strace s2  }
0xf: {  	_ =	strace $0x8FFFFFFF  }
0x10: {  	s20 =	sld [smem:$0x3FDB];
	_ =	sdelay $0x1  }
0x11: {  	s21 =	simm.s32 $_scs_section_size  }
0x12: {  	s4 =	simm.s32 $_size__tile_overlayer_lowered;
	s5 =	simm.s32 $_tile_overlayer_lowered  }
0x13: {  	s6 =	simm.s32 $0x1BFF;
	s22 =	sshll.u32 s5, $0x1;
	s3 =	sadd.s32 s21, s20  }
0x14: {  	s23 =	simm.s32 $0x0;
	s4 =	sshll.u32 s4, $0x1;
	s5 =	sadd.s32 s22, s3  }
0x15: {  	[timem:s23], [sflag:s6] =	dma.local [hbm:s5], s4  }
0x16: {  	_ =	swait.ge [sflag:s6], s4  }
0x17: {  	s4 =	ssub.s32 $0x0, s4;
	[sflag:s6] =	ssyncset.done $0x0  }
0x18: {  	[sflag:s6] =	ssyncadd.s32 s4;
	_ =	sdelay $0x1  }
0x19: {  	s24 =	simm.s32 $0x1B8B  }
0x1a: {  	_ =	swait.ge [sflag:s24], $0x1  }
0x1b: {  	[sflag:s24] =	ssyncset.done $0x0  }
0x1c: {  	[sflag:s24] =	ssyncadd.s32 $0xFFFFFFFF  }
0x1d: {  	s4 =	sld [smem:$0x0]  }
0x1e: {  	s5 =	sand.u32 $0xFFFFFFFE, s1  }
0x1f: {  	p0 =	sne.s32 s1, s5  }
0x20: {  	s5 =	sshll.u32 @p0 s5, $0xE  }
0x21: {  	s5 =	sadd.s32 @p0 $0x11B8D, s5;
	s6 =	sshll.u32 @p0 s4, $0x11  }
0x22: {  	s5 =	sor.u32 @p0 s6, s5  }
0x23: {  	[sflag:s5] =	ssyncadd.remote.s32 @p0 $0x1;
	_ =	sdelay $0x1  }
0x24: {  	s5 =	simm.s32 @p0 $0x1B8D  }
0x25: {  	_ =	swait.eq @p0 [sflag:s5], $0x1  }
0x26: {  	[sflag:s5] =	ssyncadd.s32 @p0 $0xFFFFFFFF  }
0x27: {  	s6 =	sshll.u32 @!p0 s1, $0xE  }
0x28: {  	s6 =	sor.u32 @!p0 $0x4000, s6;
	s5 =	simm.s32 @!p0 $0x1B8D  }
0x29: {  	s4 =	sshll.u32 @!p0 s4, $0x11;
	s6 =	sadd.s32 @!p0 $0x11B8D, s6;
	_ =	swait.eq @!p0 [sflag:s5], $0x1  }
0x2a: {  	s4 =	sor.u32 @!p0 s4, s6;
	[sflag:s5] =	ssyncadd.s32 @!p0 $0xFFFFFFFF  }
0x2b: {  	s26 =	simm.s32 $0x1B8E;
	s25 =	sld [smem:$0x3FFE];
	[sflag:s4] =	ssyncadd.remote.s32 @!p0 $0x1  }
0x2c: {  	s27 =	simm.s32 $execute0_lowered;
	[smem:$0x3FD2] =	sst s26  }
0x2d: {  	s5 =	sshll.u32 s27, $0x1;
	_ =	strace $0x8000004F;
	[dreg:$0x1] =	wrdreg $0xFFFFFFFF  }
0x2e: {  	s28 =	simm.s32 $_size_execute0_lowered;
	s3 =	sadd.s32 s3, s5;
	[dreg:$0x0] =	wrdreg $0x0  }
0x2f: {  	s5 =	sshll.u32 s28, $0x1;
	[dreg:$0x2] =	wrdreg s3  }
0x30: {  	[dreg:$0x3] =	wrdreg s5  }
0x31: {  	[dreg:$0x4] =	wrdreg $0xC0  }
0x32: {  	_ =	task [dreg:s23], $0x5FFFF  }
0x33: {  	[dreg:$0x1] =	wrdreg $0xFFFFFFFF  }
0x34: {  	[dreg:$0x0] =	wrdreg $0x60  }
0x35: {  	[dreg:$0x2] =	wrdreg s25  }
0x36: {  	[dreg:$0x3] =	wrdreg $0xA  }
0x37: {  	_ =	task.clear_ibuf [dreg:s23], $0x4FFFF;
	_ =	strace $0x9000004F  }
0x38: {  	s29 =	simm.s32 $0xA;
	_ =	strace $0x80000051  }
0x39: {  	_ =	swait.ge [sflag:s29], $0x1  }
0x3a: {  	[sflag:s29] =	ssyncadd.s32 $0xFFFFFFFF  }
0x3b: {  	_ =	strace $0x90000051  }
0x3c: {  	_ =	sfence  }
0x3d: {  	s30 =	sld [smem:$0x0];
	_ =	sdelay $0x2  }
0x3e: {  	s31 =	sshll.u32 s1, $0xD;
	s1 =	sshrl.u32 s1, $0x2  }
0x3f: {  	s4 =	sand.u32 $0x4000, s31;
	s1 =	sadd.s32 s1, s30  }
0x40: {  	s0 =	sor.u32 s4, s0;
	s1 =	sshll.u32 s1, $0x11  }
0x41: {  	s0 =	sor.u32 s1, s0  }
0x42: {  	s0 =	sadd.s32 $0x8F2B, s0  }
0x43: {  	[sflag:s0] =	ssyncadd.remote.s32 $0x1  }
0x44: {  	_ =	sfence.sel $0xFFFF  }
0x45: {  	[dreg:$0x0] =	wrdreg $0xFFFFFFFF;
	(pc) =	sbr.abs _section_cstart, $3  }
0x46: {  	[dreg:$0x1] =	wrdreg $0xFFFFFFFF  }
0x47: {  	_ =	task.clear_ibuf [dreg:s23], $0x2FFFF;
	_ =	strace $0x9FFFFFFF  }
0x48: {  	(tm) =	ssettm $0x7FFFFFFF  }
0x49: {  	_ =	shalt  }
tec
execute0_lowered:
.L_overlay_start_1:
0x0: {  	(tag) =	ssettag $0x1  }
0x1: {  	s0 =	srdreg.scid  }
0x2: {  	s5 =	rddreg [dreg:$0x0];
	s1 =	stileid.u32;
	s4 =	simm.s32 $0x1  }
0x3: {  	s6 =	simm.s32 $0x2;
	s8 =	simm.s32 $0x0;
	s2 =	sshll.u32 s0, $0x4  }
0x4: {  	s9 =	simm.s32 $0x0;
	s13 =	simm.s32 $0x0;
	s2 =	sand.u32 $0x10, s2  }
.Ltmp0:
0x5: {  	s10 =	simm.s32 $0x0;
	s3 =	sor.u32 s1, s2;
	(pc) =	sbr.rel .LBB1_1-.Ltmp0, $4  }
0x6: {  	s0 =	rddreg [dreg:$0x1];
	_ =	strace $0x80000050;
	s3 =	sshll.u32 s3, $0x4  }
0x7: {  	s12 =	simm.s32 $0x0;
	[sflag:s4] =	ssyncpa.u1 $0x0;
	s7 =	ssub.s32 $0x3D00, s3  }
0x8: {  	s2 =	sadd.s32 $0x5BA600, s5;
	[sflag:s6] =	ssyncpa.u1 $0x0;
	s6 =	sshrl.u32 s7, $0x9  }
0x9: {  	s5 =	sadd.s32 $0x3D2000, s5;
	s11 =	smov.u32 s3;
	s7 =	sadd.s32 $0x2, s6  }
.LBB1_7:
0xa: {  	s15 =	sshll.u32 s12, $0xF  }
0xb: {  	s15 =	sand.u32 $0x8000, s15  }
0xc: {  	s16 =	sshll.u32 s10, $0x7;
	s15 =	sshrl.u32 s15, $0x1  }
0xd: {  	s16 =	sadd.s32 s5, s16;
	s15 =	sor.u32 $0x8000, s15  }
0xe: {  	[hbm4b:s16+s8] =	stream.linear.scatter [tilespmem:s15], [sflag:$0x2], s14, $0x38;
	[tilespmem:$0x10000] =	vst v63  }
.LBB1_8:
0xf: {  	p0 =	slt.u32 s12, $0x2  }
0x10: {  	p1 =	sgt.s32 @!p0 s13, $0x3CF9  }
0x11: {  	s14 =	smov.u32 s13;
	s15 =	sshra.s32 @!p0 s13, $0x1F;
	p1 =	por !p1, p0  }
0x12: {  	s13 =	sand.u32 @!p0 s15, s13;
	s14 =	simm.s32 @p1 $0x3CF9  }
0x13: {  	s13 =	ssub.s32 @!p0 s14, s13  }
0x14: {  	s13 =	sadd.s32 @!p0 $0xFFFFC307, s13  }
0x15: {  	s14 =	sshll.u32 @!p0 s13, $0xC  }
0x16: {  	p1 =	sgt.s32 @!p0 s13, $0xF;
	s13 =	ssub.s32 @!p0 $0x10000, s14  }
0x17: {  	s15 =	sadd.s32 $0x200, s11;
	p1 =	por !p1, p0;
	s13 =	sshrl.u32 @!p0 s13, $0x2  }
0x18: {  	s13 =	simm.s32 @!p1 $0x0;
	p1 =	sgt.s32 s15, $0x3D08  }
0x19: {  	s15 =	smov.u32 @p1 s3;
	p1 =	sne.s32 s12, s7  }
.Ltmp1:
0x1a: {  	_ = 	snop;
	(pc) =	sbr.rel @!p1 .LBB1_9-.Ltmp1, $4  }
0x1b: {  	s14 =	simm.s32 @!p0 $0x2  }
0x1c: {  	s9 =	sadd.s32 $0x8000, s9;
	_ =	swait.ge @!p0 [sflag:s14], s13;
	s16 =	ssub.s32 @!p0 $0x0, s13  }
0x1d: {  	s13 =	smov.u32 s10;
	s12 =	sadd.s32 $0x1, s12;
	[sflag:s14] =	ssyncset.done @!p0 $0x0  }
0x1e: {  	s10 =	smov.u32 s11;
	s11 =	smov.u32 s15;
	[sflag:s14] =	ssyncadd.s32 @!p0 s16  }
.LBB1_1:
0x1f: {  	p0 =	sgt.u32 s12, s6  }
0x20: {  	p1 =	sgt.s32 @!p0 s11, $0x3CF9  }
0x21: {  	s14 =	smov.u32 s11;
	s15 =	sshra.s32 @!p0 s11, $0x1F;
	p1 =	por !p1, p0  }
0x22: {  	s15 =	sand.u32 @!p0 s15, s11;
	s14 =	simm.s32 @p1 $0x3CF9  }
0x23: {  	s14 =	ssub.s32 @!p0 s14, s15  }
0x24: {  	s14 =	sadd.s32 @!p0 $0xFFFFC307, s14  }
0x25: {  	s16 =	sshll.u32 @!p0 s11, $0x7;
	s17 =	simm.s32 @!p0 $0x0;
	s15 =	sshll.u32 @!p0 s14, $0xC  }
0x26: {  	p1 =	sgt.s32 @!p0 s14, $0xF;
	s14 =	ssub.s32 @!p0 $0x10000, s15;
	s15 =	sxor.u32 @!p0 $0xFFFFFFFF, s12  }
0x27: {  	p1 =	por !p1, p0;
	s14 =	sshrl.u32 @!p0 s14, $0x2;
	s15 =	sshll.u32 @!p0 s15, $0xE  }
0x28: {  	s16 =	sadd.s32 @!p0 s2, s16;
	s14 =	simm.s32 @!p1 $0x0;
	s15 =	sand.u32 @!p0 $0x4000, s15  }
0x29: {  	[tilespmem:s15], [sflag:$0x1] =	stream.linear.gather @!p0 [hbm4b:s16+s17], s14, $0x38;
	[tilespmem:$0x10000] =	vst v63  }
0x2a: {  	p0 =	seq.s32 s12, $0x0  }
0x2b: {  	p1 =	sge.u32 @!p0 s12, s7  }
0x2c: {  	p0 =	por p0, p1  }
.Ltmp2:
0x2d: {  	_ = 	snop;
	(pc) =	sbr.rel @p0 .LBB1_8-.Ltmp2, $1  }
0x2e: {  	_ =	sdelay $0x3  }
0x2f: {  	p0 =	sgt.s32 s10, $0x3CF9;
	s14 =	smov.u32 s10;
	s15 =	sshra.s32 s10, $0x1F  }
0x30: {  	s14 =	simm.s32 @!p0 $0x3CF9;
	s15 =	sand.u32 s15, s10  }
0x31: {  	s14 =	ssub.s32 s14, s15  }
0x32: {  	s16 =	sadd.s32 $0x10, s10;
	s14 =	sadd.s32 $0xFFFFC307, s14  }
0x33: {  	p1 =	slt.s32 s16, $0x3D09;
	s30 =	sshll.u32 s14, $0xC  }
0x34: {  	s16 =	simm.s32 @!p1 $0x3D09;
	s15 =	ssub.s32 $0x10000, s30  }
0x35: {  	p0 =	sgt.s32 s14, $0xF;
	s14 =	sshrl.u32 s15, $0x2;
	s15 =	ssub.s32 s16, s10  }
0x36: {  	s14 =	simm.s32 @p0 $0x0;
	p0 =	slt.s32 s15, $0x1  }
.Ltmp3:
0x37: {  	_ = 	snop;
	(pc) =	sbr.rel @p0 .LBB1_7-.Ltmp3, $4  }
0x38: {  	_ = 	snop  }
0x39: {  	_ =	swait.ge [sflag:s4], s14  }
0x3a: {  	s31 =	ssub.s32 $0x0, s14;
	[sflag:s4] =	ssyncset.done $0x0  }
0x3b: {  	[sflag:s4] =	ssyncadd.s32 s31  }
0x3c: {  	s16 =	sshrl.u32 s9, $0x1  }
0x3d: {  	s17 =	sand.u32 $0x4000, s16  }
0x3e: {  	s18 =	simm.s32 $0x0;
	s16 =	sor.u32 $0x200, s17;
	s17 =	sor.u32 $0x8080, s17  }
.LBB1_4:
0x3f: {  	v0 =	vld [tilespmem:s16+$0xFFFFFE70]  }
0x40: {  	v1 =	vld [tilespmem:s16+$0x70]  }
0x41: {  	v2 =	vld [tilespmem:s16+$0x0]  }
0x42: {  	v3 =	vld [tilespmem:s16+$0xFFFFFE10]  }
0x43: {  	v4 =	vld [tilespmem:s16+$0x10]  }
0x44: {  	v5 =	vld [tilespmem:s16+$0xFFFFFE20]  }
0x45: {  	v7 =	vld [tilespmem:s16+$0x20]  }
0x46: {  	v11 =	vld [tilespmem:s16+$0x30];
	v6 =	vunpack.i.l.s16.s32 v0;
	v8 =	vunpack.i.u.s16.s32 v0;
	v9 =	vunpack.i.u.s16.s32 v1  }
0x47: {  	v10 =	vunpack.i.l.s16.s32 v1;
	v0 =	vunpack.i.u.s16.s32 v2;
	v1 =	vunpack.i.l.s16.s32 v2;
	v2 =	vld [tilespmem:s16+$0xFFFFFE30]  }
0x48: {  	v8 =	vpack.i.b32.b16 v9, v8;
	v9 =	vunpack.i.u.s16.s32 v3;
	v3 =	vunpack.i.l.s16.s32 v3  }
0x49: {  	v12 =	vld [tilespmem:s16+$0xFFFFFE40];
	v6 =	vpack.i.b32.b16 v10, v6;
	[tilespmem:s17+$0x70] =	vst v8;
	v8 =	vunpack.i.u.s16.s32 v4;
	v4 =	vunpack.i.l.s16.s32 v4  }
0x4a: {  	v13 =	vld [tilespmem:s16+$0x40];
	v10 =	vunpack.i.u.s16.s32 v5;
	v5 =	vunpack.i.l.s16.s32 v5;
	[tilespmem:s17+$0xFFFFFFF0] =	vst v6;
	v3 =	vpack.i.b32.b16 v4, v3  }
0x4b: {  	v6 =	vunpack.i.l.s16.s32 v7;
	v4 =	vld [tilespmem:s16+$0xFFFFFE50];
	[tilespmem:s17+$0xFFFFFF90] =	vst v3;
	v3 =	vpack.i.b32.b16 v8, v9;
	v8 =	vunpack.i.u.s16.s32 v7  }
0x4c: {  	v7 =	vunpack.i.l.s16.s32 v11;
	[tilespmem:s17+$0x10] =	vst v3;
	v3 =	vpack.i.b32.b16 v6, v5;
	v9 =	vunpack.i.u.s16.s32 v2;
	v6 =	vld [tilespmem:s16+$0x50]  }
0x4d: {  	v5 =	vunpack.i.l.s16.s32 v2;
	v2 =	vld [tilespmem:s16+$0xFFFFFE60];
	[tilespmem:s17+$0xFFFFFFA0] =	vst v3;
	v3 =	vpack.i.b32.b16 v8, v10;
	v10 =	vunpack.i.u.s16.s32 v11  }
0x4e: {  	s21 =	simm.s32 $0x0;
	v11 =	vpack.i.b32.b16 v7, v5;
	v7 =	vunpack.i.u.s16.s32 v12;
	v8 =	vunpack.i.l.s16.s32 v12;
	[tilespmem:s17+$0x20] =	vst v3;
	v3 =	vld [tilespmem:s16+$0x60]  }
0x4f: {  	s22 =	sadd.s32 $0x80, s16;
	s20 =	smov.u32 s17;
	s19 =	smov.u32 s17;
	v5 =	vld [tilespmem:s16+$0xFFFFFE00];
	[tilespmem:s17+$0xFFFFFFB0] =	vst v11;
	v10 =	vpack.i.b32.b16 v10, v9;
	v9 =	vunpack.i.u.s16.s32 v13;
	v11 =	vunpack.i.l.s16.s32 v13  }
.LBB1_5:
0x50: {  	v12 =	vld [tilespmem:s22+$0xFFFFFE70];
	[tilespmem:s20+$0x30] =	vst v10;
	v8 =	vpack.i.b32.b16 v11, v8;
	v10 =	vunpack.i.u.s16.s32 v4;
	v4 =	vunpack.i.l.s16.s32 v4  }
0x51: {  	s21 =	sadd.s32 $0x2, s21;
	v7 =	vpack.i.b32.b16 v9, v7;
	v11 =	vld [tilespmem:s22+$0x70];
	[tilespmem:s20+$0xFFFFFFC0] =	vst v8;
	v8 =	vunpack.i.u.s16.s32 v6;
	v6 =	vunpack.i.l.s16.s32 v6  }
0x52: {  	p0 =	slt.u32 s21, $0x6;
	v9 =	vld [tilespmem:s22+$0x0];
	[tilespmem:s20+$0x40] =	vst v7;
	v4 =	vpack.i.b32.b16 v6, v4;
	v6 =	vunpack.i.u.s16.s32 v2;
	v2 =	vunpack.i.l.s16.s32 v2  }
0x53: {  	v7 =	vld [tilespmem:s22+$0xFFFFFE10];
	[tilespmem:s20+$0xFFFFFFD0] =	vst v4;
	v4 =	vpack.i.b32.b16 v8, v10;
	v8 =	vunpack.i.u.s16.s32 v3;
	v3 =	vunpack.i.l.s16.s32 v3  }
0x54: {  	v10 =	vld [tilespmem:s22+$0x10];
	v13 =	vunpack.i.u.s16.s32 v5;
	v5 =	vunpack.i.l.s16.s32 v5;
	[tilespmem:s20+$0x50] =	vst v4;
	v2 =	vpack.i.b32.b16 v3, v2  }
0x55: {  	v3 =	vld [tilespmem:s22+$0xFFFFFE20];
	v4 =	vunpack.i.l.s16.s32 v12;
	v1 =	vpack.i.b32.b16 v1, v5;
	v5 =	vpack.i.b32.b16 v0, v13;
	[tilespmem:s20+$0xFFFFFFE0] =	vst v2  }
0x56: {  	v12 =	vunpack.i.u.s16.s32 v12;
	v2 =	vld [tilespmem:s22+$0x20];
	v13 =	vunpack.i.u.s16.s32 v11;
	v11 =	vunpack.i.l.s16.s32 v11;
	[tilespmem:s20+$0xFFFFFF80] =	vst v1  }
0x57: {  	s20 =	sadd.s32 $0x100, s20;
	v0 =	vunpack.i.u.s16.s32 v9;
	v1 =	vunpack.i.l.s16.s32 v9;
	v9 =	vld [tilespmem:s22+$0xFFFFFE30];
	v12 =	vpack.i.b32.b16 v13, v12;
	[tilespmem:s19+$0x0] =	vst v5  }
0x58: {  	v6 =	vpack.i.b32.b16 v8, v6;
	v5 =	vunpack.i.u.s16.s32 v7;
	v7 =	vunpack.i.l.s16.s32 v7;
	v13 =	vld [tilespmem:s22+$0x30];
	[tilespmem:s20+$0x70] =	vst v12  }
0x59: {  	v4 =	vpack.i.b32.b16 v11, v4;
	v8 =	vunpack.i.u.s16.s32 v10;
	v10 =	vunpack.i.l.s16.s32 v10;
	v12 =	vld [tilespmem:s22+$0xFFFFFE40];
	[tilespmem:s19+$0x60] =	vst v6;
	s19 =	smov.u32 s20  }
0x5a: {  	v6 =	vpack.i.b32.b16 v10, v7;
	v7 =	vunpack.i.u.s16.s32 v3;
	v3 =	vunpack.i.l.s16.s32 v3;
	v11 =	vld [tilespmem:s22+$0x40];
	[tilespmem:s20+$0xFFFFFFF0] =	vst v4  }
.Ltmp4:
0x5b: {  	v5 =	vpack.i.b32.b16 v8, v5;
	[tilespmem:s20+$0xFFFFFF90] =	vst v6;
	v8 =	vunpack.i.u.s16.s32 v2;
	v2 =	vunpack.i.l.s16.s32 v2;
	v4 =	vld [tilespmem:s22+$0xFFFFFE50];
	(pc) =	sbr.rel @p0 .LBB1_5-.Ltmp4, $4  }
0x5c: {  	[tilespmem:s20+$0x10] =	vst v5;
	v2 =	vpack.i.b32.b16 v2, v3;
	v10 =	vunpack.i.u.s16.s32 v9;
	v3 =	vunpack.i.l.s16.s32 v9;
	v6 =	vld [tilespmem:s22+$0x50]  }
0x5d: {  	v5 =	vpack.i.b32.b16 v8, v7;
	[tilespmem:s20+$0xFFFFFFA0] =	vst v2;
	v9 =	vunpack.i.u.s16.s32 v13;
	v7 =	vunpack.i.l.s16.s32 v13;
	v2 =	vld [tilespmem:s22+$0xFFFFFE60]  }
0x5e: {  	[tilespmem:s20+$0x20] =	vst v5;
	v13 =	vpack.i.b32.b16 v7, v3;
	v7 =	vunpack.i.u.s16.s32 v12;
	v8 =	vunpack.i.l.s16.s32 v12;
	v3 =	vld [tilespmem:s22+$0x60]  }
0x5f: {  	v10 =	vpack.i.b32.b16 v9, v10;
	v5 =	vld [tilespmem:s22+$0xFFFFFE00];
	[tilespmem:s20+$0xFFFFFFB0] =	vst v13;
	v9 =	vunpack.i.u.s16.s32 v11;
	v11 =	vunpack.i.l.s16.s32 v11;
	s22 =	sadd.s32 $0x80, s22  }
0x60: {  	[tilespmem:s20+$0x30] =	vst v10;
	v8 =	vpack.i.b32.b16 v11, v8  }
0x61: {  	v51 =	vunpack.i.l.s16.s32 v4;
	v7 =	vpack.i.b32.b16 v9, v7;
	[tilespmem:s20+$0xFFFFFFC0] =	vst v8;
	v52 =	vunpack.i.l.s16.s32 v6  }
0x62: {  	v53 =	vunpack.i.u.s16.s32 v4;
	s18 =	sadd.s32 $0x1, s18;
	v54 =	vunpack.i.u.s16.s32 v6;
	[tilespmem:s20+$0x40] =	vst v7;
	v55 =	vpack.i.b32.b16 v52, v51  }
0x63: {  	p0 =	sne.s32 s18, s15;
	v56 =	vunpack.i.l.s16.s32 v2;
	v4 =	vpack.i.b32.b16 v54, v53;
	[tilespmem:s20+$0xFFFFFFD0] =	vst v55;
	v57 =	vunpack.i.l.s16.s32 v3  }
.Ltmp5:
0x64: {  	[tilespmem:s20+$0x50] =	vst v4;
	v58 =	vunpack.i.l.s16.s32 v5;
	v59 =	vpack.i.b32.b16 v57, v56;
	(pc) =	sbr.rel @p0 .LBB1_4-.Ltmp5, $4  }
.Ltmp6:
0x65: {  	v61 =	vunpack.i.u.s16.s32 v2;
	v62 =	vunpack.i.u.s16.s32 v3;
	v1 =	vpack.i.b32.b16 v1, v58;
	[tilespmem:s20+$0xFFFFFFE0] =	vst v59;
	(pc) =	sbr.rel @!p0 .LBB1_7-.Ltmp6, $4  }
0x66: {  	v60 =	vunpack.i.u.s16.s32 v5;
	v63 =	vpack.i.b32.b16 v62, v61;
	[tilespmem:s20+$0xFFFFFF80] =	vst v1  }
0x67: {  	v0 =	vpack.i.b32.b16 v0, v60;
	[tilespmem:s19+$0x60] =	vst v63  }
0x68: {  	s16 =	sadd.s32 $0x400, s16;
	s17 =	sadd.s32 $0x400, s17;
	[tilespmem:s19+$0x0] =	vst v0  }
0x69: {  	_ = 	snop  }
.LBB1_9:
0x6a: {  	_ =	sfence.sel $0x180000  }
0x6b: {  	s2 =	simm.s32 $0x1;
	[bflag:$0x0] =	sbarrier.arrive $0xFFFF  }
0x6c: {  	s31 =	simm.s32 $0x2;
	[sflag:s2] =	ssyncpa.u1 $0x1  }
0x6d: {  	[sflag:s31] =	ssyncpa.u1 $0x1  }
0x6e: {  	p0 =	sne.s32 s1, $0x0;
	_ =	strace $0x90000050  }
0x6f: {  	s0 =	sadd.s32 @!p0 $0x100000, s0;
	[bflag:$0x2] =	sbarrier.arrive $0xFFFF  }
0x70: {  	[sflag:s0] =	ssyncadd.tile.s32 @!p0 $0x1;
	_ =	shalt  }
.Lfunc_end1:
_tile_overlayer_lowered:
.L_overlay_start_2:
0x71: {  	(tag) =	ssettag $0x2  }
0x72: {  	s0 =	rddreg [dreg:$0x0];
	s2 =	stileid.u32  }
0x73: {  	s1 =	rddreg [dreg:$0x1];
	p0 =	sne.s32 s2, $0x0  }
0x74: {  	s3 =	rddreg [dreg:$0x2];
	[bflag:$0x3] =	sbarrier.arrive $0xFFFF;
	s2 =	simm.s32 @!p0 $0x1C01  }
0x75: {  	[timem:s3], [sflag:s2] =	dma.local @!p0 [hbm:s0], s1  }
0x76: {  	s0 =	simm.s32 @!p0 $0x1  }
0x77: {  	_ =	swait.ge @!p0 [sflag:s0], s1  }
0x78: {  	s1 =	ssub.s32 @!p0 $0x0, s1;
	[sflag:s0] =	ssyncset.done @!p0 $0x0  }
0x79: {  	[sflag:s0] =	ssyncadd.s32 @!p0 s1  }
0x7a: {  	[bflag:$0x3] =	sbarrier.arrive $0xFFFF  }
0x7b: {  	_ =	shalt  }

// kernel: sparse-core-data-format-call.3.cloned.1.call-start
scs
called_computation.3_lowered:
.L_overlay_start_0:
0x0: {  	s2 =	sld [smem:$0x3FD9]  }
0x1: {  	s3 =	sld [smem:$0x3FFE];
	_ =	sdelay $0x1  }
0x2: {  	s1 =	srdreg.scid  }
0x3: {  	s0 =	sand.u32 $0x1, s1  }
0x4: {  	s18 =	sshll.u32 s0, $0xA;
	s2 =	sadd.s32 s3, s2  }
0x5: {  	s2 =	sadd.s32 s2, s18  }
0x6: {  	[smem:$0x3FC4] =	sst s2  }
0x7: {  	_ = 	snop  }
0x8: {  	(tm) =	ssettm $0x1  }
0x9: {  	s19 =	sld [smem:$0x3FFB];
	_ =	sdelay $0x3  }
0xa: {  	_ =	strace s19  }
0xb: {  	s2 =	sld [smem:$0x3FFC];
	_ =	sdelay $0x3  }
0xc: {  	_ =	strace s2  }
0xd: {  	s2 =	sld [smem:$0x3FFD];
	_ =	sdelay $0x3  }
0xe: {  	_ =	strace s2  }
0xf: {  	_ =	strace $0x8FFFFFFF  }
0x10: {  	s20 =	sld [smem:$0x3FDB];
	_ =	sdelay $0x1  }
0x11: {  	s21 =	simm.s32 $_scs_section_size  }
0x12: {  	s4 =	simm.s32 $_size__tile_overlayer_lowered;
	s5 =	simm.s32 $_tile_overlayer_lowered  }
0x13: {  	s6 =	simm.s32 $0x1BFF;
	s22 =	sshll.u32 s5, $0x1;
	s3 =	sadd.s32 s21, s20  }
0x14: {  	s23 =	simm.s32 $0x0;
	s4 =	sshll.u32 s4, $0x1;
	s5 =	sadd.s32 s22, s3  }
0x15: {  	[timem:s23], [sflag:s6] =	dma.local [hbm:s5], s4  }
0x16: {  	_ =	swait.ge [sflag:s6], s4  }
0x17: {  	s4 =	ssub.s32 $0x0, s4;
	[sflag:s6] =	ssyncset.done $0x0  }
0x18: {  	[sflag:s6] =	ssyncadd.s32 s4;
	_ =	sdelay $0x1  }
0x19: {  	s24 =	simm.s32 $0x1B8B  }
0x1a: {  	_ =	swait.ge [sflag:s24], $0x1  }
0x1b: {  	[sflag:s24] =	ssyncset.done $0x0  }
0x1c: {  	[sflag:s24] =	ssyncadd.s32 $0xFFFFFFFF  }
0x1d: {  	s4 =	sld [smem:$0x0]  }
0x1e: {  	s5 =	sand.u32 $0xFFFFFFFE, s1  }
0x1f: {  	p0 =	sne.s32 s1, s5  }
0x20: {  	s5 =	sshll.u32 @p0 s5, $0xE  }
0x21: {  	s5 =	sadd.s32 @p0 $0x11B8D, s5;
	s6 =	sshll.u32 @p0 s4, $0x11  }
0x22: {  	s5 =	sor.u32 @p0 s6, s5  }
0x23: {  	[sflag:s5] =	ssyncadd.remote.s32 @p0 $0x1;
	_ =	sdelay $0x1  }
0x24: {  	s5 =	simm.s32 @p0 $0x1B8D  }
0x25: {  	_ =	swait.eq @p0 [sflag:s5], $0x1  }
0x26: {  	[sflag:s5] =	ssyncadd.s32 @p0 $0xFFFFFFFF  }
0x27: {  	s6 =	sshll.u32 @!p0 s1, $0xE  }
0x28: {  	s6 =	sor.u32 @!p0 $0x4000, s6;
	s5 =	simm.s32 @!p0 $0x1B8D  }
0x29: {  	s4 =	sshll.u32 @!p0 s4, $0x11;
	s6 =	sadd.s32 @!p0 $0x11B8D, s6;
	_ =	swait.eq @!p0 [sflag:s5], $0x1  }
0x2a: {  	s4 =	sor.u32 @!p0 s4, s6;
	[sflag:s5] =	ssyncadd.s32 @!p0 $0xFFFFFFFF  }
0x2b: {  	s26 =	simm.s32 $0x1B8E;
	s25 =	sld [smem:$0x3FFE];
	[sflag:s4] =	ssyncadd.remote.s32 @!p0 $0x1  }
0x2c: {  	s27 =	simm.s32 $execute0_lowered;
	[smem:$0x3FD2] =	sst s26  }
0x2d: {  	s5 =	sshll.u32 s27, $0x1;
	_ =	strace $0x80000049;
	[dreg:$0x1] =	wrdreg $0xFFFFFFFF  }
0x2e: {  	s28 =	simm.s32 $_size_execute0_lowered;
	s3 =	sadd.s32 s3, s5;
	[dreg:$0x0] =	wrdreg $0x0  }
0x2f: {  	s5 =	sshll.u32 s28, $0x1;
	[dreg:$0x2] =	wrdreg s3  }
0x30: {  	[dreg:$0x3] =	wrdreg s5  }
0x31: {  	[dreg:$0x4] =	wrdreg $0xC0  }
0x32: {  	_ =	task [dreg:s23], $0x5FFFF  }
0x33: {  	[dreg:$0x1] =	wrdreg $0xFFFFFFFF  }
0x34: {  	[dreg:$0x0] =	wrdreg $0x60  }
0x35: {  	[dreg:$0x2] =	wrdreg s25  }
0x36: {  	[dreg:$0x3] =	wrdreg $0xA  }
0x37: {  	_ =	task.clear_ibuf [dreg:s23], $0x4FFFF;
	_ =	strace $0x90000049  }
0x38: {  	s29 =	simm.s32 $0xA;
	_ =	strace $0x8000004B  }
0x39: {  	_ =	swait.ge [sflag:s29], $0x1  }
0x3a: {  	[sflag:s29] =	ssyncadd.s32 $0xFFFFFFFF  }
0x3b: {  	_ =	strace $0x9000004B  }
0x3c: {  	_ =	sfence  }
0x3d: {  	s30 =	sld [smem:$0x0];
	_ =	sdelay $0x2  }
0x3e: {  	s31 =	sshll.u32 s1, $0xD;
	s1 =	sshrl.u32 s1, $0x2  }
0x3f: {  	s4 =	sand.u32 $0x4000, s31;
	s1 =	sadd.s32 s1, s30  }
0x40: {  	s0 =	sor.u32 s4, s0;
	s1 =	sshll.u32 s1, $0x11  }
0x41: {  	s0 =	sor.u32 s1, s0  }
0x42: {  	s0 =	sadd.s32 $0x8F2B, s0  }
0x43: {  	[sflag:s0] =	ssyncadd.remote.s32 $0x1  }
0x44: {  	_ =	sfence.sel $0xFFFF  }
0x45: {  	[dreg:$0x0] =	wrdreg $0xFFFFFFFF;
	(pc) =	sbr.abs _section_cstart, $3  }
0x46: {  	[dreg:$0x1] =	wrdreg $0xFFFFFFFF  }
0x47: {  	_ =	task.clear_ibuf [dreg:s23], $0x2FFFF;
	_ =	strace $0x9FFFFFFF  }
0x48: {  	(tm) =	ssettm $0x7FFFFFFF  }
0x49: {  	_ =	shalt  }
tec
execute0_lowered:
.L_overlay_start_1:
0x0: {  	(tag) =	ssettag $0x1  }
0x1: {  	s0 =	srdreg.scid  }
0x2: {  	s5 =	rddreg [dreg:$0x0];
	s1 =	stileid.u32;
	s4 =	simm.s32 $0x1  }
0x3: {  	s6 =	simm.s32 $0x2;
	s15 =	simm.s32 $0x0;
	p0 =	por $0x0, $0x0  }
0x4: {  	s8 =	simm.s32 $0x80;
	s14 =	simm.s32 $0x0;
	s2 =	sshll.u32 s0, $0x4  }
0x5: {  	s9 =	simm.s32 $0x0;
	s10 =	simm.s32 $0x0;
	s2 =	sand.u32 $0x10, s2  }
.Ltmp0:
0x6: {  	s12 =	simm.s32 $0x0;
	s3 =	sor.u32 s1, s2;
	(pc) =	sbr.rel .LBB1_1-.Ltmp0, $4  }
0x7: {  	s0 =	rddreg [dreg:$0x1];
	_ =	strace $0x8000004A;
	s3 =	sshll.u32 s3, $0x7  }
0x8: {  	s13 =	simm.s32 $0x0;
	[sflag:s4] =	ssyncpa.u1 $0x0;
	s7 =	ssub.s32 $0xF4200, s3  }
0x9: {  	s2 =	sadd.s32 $0x98AC00, s5;
	[sflag:s6] =	ssyncpa.u1 $0x0;
	s6 =	sshrl.u32 s7, $0xC  }
0xa: {  	s5 =	sadd.s32 $0xB73200, s5;
	s11 =	smov.u32 s3;
	s7 =	sadd.s32 $0x2, s6  }
.LBB1_5:
0xb: {  	p1 =	slt.u32 s13, $0x2  }
0xc: {  	s17 =	smov.u32 s15;
	p2 =	sgt.s32 @!p1 s15, $0xF41C0;
	s16 =	sshra.s32 @!p1 s15, $0x1F  }
0xd: {  	p3 =	sgt.s32 @!p1 s14, $0x60;
	s18 =	sshra.s32 @!p1 s14, $0x1F;
	p2 =	por !p2, p1  }
0xe: {  	s15 =	sand.u32 @!p1 s16, s15;
	p3 =	por !p3, p1;
	s16 =	smov.u32 s14  }
0xf: {  	s14 =	sand.u32 @!p1 s18, s14;
	s17 =	simm.s32 @p2 $0xF41C0;
	s16 =	simm.s32 @p3 $0x60  }
0x10: {  	s15 =	ssub.s32 @!p1 s17, s15;
	s14 =	ssub.s32 @!p1 s16, s14  }
0x11: {  	s18 =	smov.u32 s12;
	s16 =	sadd.s32 @!p1 $0xFFF0BE40, s15;
	s17 =	sadd.s32 @!p1 $0xFFFFFFA0, s14  }
0x12: {  	s15 =	ssub.s32 @!p1 $0xF4240, s15;
	p2 =	sgt.s32 @!p1 s16, $0x7F;
	p3 =	sgt.s32 @!p1 s17, $0x1F  }
0x13: {  	s14 =	ssub.s32 @!p1 $0x80, s14;
	p2 =	por !p2, p1;
	p3 =	por !p3, p1  }
0x14: {  	s16 =	sadd.s32 $0x1000, s11;
	s15 =	simm.s32 @!p2 $0x0;
	s14 =	simm.s32 @!p3 $0x0  }
0x15: {  	p2 =	sgt.s32 s16, $0xF423F;
	s14 =	smul.u32 @!p1 s14, s15;
	s15 =	sadd.s32 $0x20, s12  }
0x16: {  	s18 =	smov.u32 @p2 s15  }
0x17: {  	s16 =	smov.u32 @p2 s3;
	p2 =	sgt.s32 s18, $0x1F  }
0x18: {  	p0 =	por !p0, !p0;
	s18 =	simm.s32 @p2 $0x0;
	p2 =	sne.s32 s13, s7  }
.Ltmp1:
0x19: {  	s17 =	simm.s32 @!p1 $0x2;
	s14 =	sshrl.u32 @!p1 s14, $0x1;
	(pc) =	sbr.rel @!p2 .LBB1_6-.Ltmp1, $4  }
0x1a: {  	s15 =	smov.u32 s9;
	s9 =	smov.u32 s11;
	s14 =	sand.u32 @!p1 $0x3FFFFFFF, s14  }
0x1b: {  	s11 =	smov.u32 s16;
	s13 =	sadd.s32 $0x1, s13;
	_ =	swait.ge @!p1 [sflag:s17], s14  }
0x1c: {  	s19 =	ssub.s32 @!p1 $0x0, s14;
	s14 =	smov.u32 s10;
	[sflag:s17] =	ssyncset.done @!p1 $0x0  }
0x1d: {  	s10 =	smov.u32 s12;
	s12 =	smov.u32 s18;
	[sflag:s17] =	ssyncadd.s32 @!p1 s19  }
.LBB1_1:
0x1e: {  	p1 =	sgt.u32 s13, s6  }
0x1f: {  	s16 =	sshrl.u32 @!p1 s12, $0x3  }
0x20: {  	s17 =	sshll.u32 @!p1 s11, $0x3;
	s16 =	smul.u32 @!p1 $0x7A1400, s16  }
0x21: {  	s18 =	sshll.u32 @!p1 s12, $0x7;
	s17 =	sand.u32 @!p1 $0xFFFFFC00, s17  }
0x22: {  	s16 =	sadd.s32 @!p1 s16, s17;
	s17 =	sand.u32 @!p1 $0x300, s18;
	s18 =	sshll.u32 @!p1 s11, $0x1  }
0x23: {  	s16 =	sor.u32 @!p1 s17, s16;
	s17 =	sand.u32 @!p1 $0xFE, s18  }
0x24: {  	s18 =	sand.u32 @!p1 $0x1, s12;
	s16 =	sor.u32 @!p1 s17, s16  }
0x25: {  	s17 =	sor.u32 @!p1 s18, s16  }
0x26: {  	s18 =	smulhi.u32 @!p1 $0x218D6287, s17;
	_ =	sdelay $0x1  }
0x27: {  	s16 =	smulhi.u32 @!p1 $0x218D6287, s16;
	s18 =	sshrl.u32 @!p1 s18, $0x11  }
0x28: {  	s18 =	smul.u32 @!p1 $0xF4280, s18  }
0x29: {  	s16 =	sshrl.u32 @!p1 s16, $0x11  }
0x2a: {  	s16 =	sand.u32 @!p1 $0x1F, s16;
	s17 =	ssub.s32 @!p1 s17, s18  }
0x2b: {  	s16 =	smul.u32 @!p1 $0xF428, s16;
	s18 =	sshrl.u32 @!p1 s17, $0x4  }
0x2c: {  	s19 =	sxor.u32 @!p1 $0xFFFFFFFF, s13;
	s17 =	sshll.u32 @!p1 s17, $0x11;
	s18 =	sadd.s32 @!p1 s2, s18  }
0x2d: {  	s17 =	sand.u32 @!p1 $0x1C0000, s17;
	s16 =	sadd.s32 @!p1 s16, s18;
	s18 =	sshll.u32 @!p1 s19, $0xB  }
0x2e: {  	s17 =	sor.u32 @!p1 $0x200, s17;
	s19 =	simm.s32 @!p1 $0x3D0A00;
	s18 =	sand.u32 @!p1 $0x800, s18  }
0x2f: {  	[tilespmem:s18], [sflag:$0x1] =	stream.strided.gather @!p1 [hbm4b:s16+s17], $0x800, s19, s17, $0x38;
	[tilespmem:$0x2080] =	vst v63  }
0x30: {  	p1 =	seq.s32 s13, $0x0  }
0x31: {  	p2 =	sge.u32 @!p1 s13, s7  }
0x32: {  	p1 =	por p1, p2  }
.Ltmp2:
0x33: {  	_ = 	snop;
	(pc) =	sbr.rel @p1 .LBB1_5-.Ltmp2, $1  }
0x34: {  	_ =	sdelay $0x3  }
0x35: {  	s16 =	simm.s32 $0x1  }
0x36: {  	_ =	swait.ge [sflag:s4], $0x800;
	s16 =	simm.s32 @!p0 $0x0  }
0x37: {  	[sflag:s4] =	ssyncset.done $0x0;
	s16 =	sshll.u32 s16, $0xB  }
0x38: {  	[sflag:s4] =	ssyncadd.s32 $0xFFFFF800;
	s16 =	sor.u32 $0x40, s16  }
0x39: {  	v0 =	vld [tilespmem:s16+$0x20]  }
0x3a: {  	v1 =	vld [tilespmem:s16+$0x30]  }
0x3b: {  	v2 =	vld [tilespmem:s16+$0xFFFFFFD0]  }
0x3c: {  	v5 =	vld [tilespmem:s16+$0x0]  }
0x3d: {  	v6 =	vld [tilespmem:s16+$0x10]  }
0x3e: {  	s17 =	sand.u32 $0x1, s13;
	v3 =	vld [tilespmem:s16+$0xFFFFFFE0]  }
0x3f: {  	s17 =	smul.u32 $0x2100, s17;
	v4 =	vld [tilespmem:s16+$0xFFFFFFF0]  }
0x40: {  	s18 =	simm.s32 $0x0;
	v1 =	vperm.xlane.i2c.b16 v1  }
0x41: {  	s19 =	sand.u32 $0x1C, s18;
	s17 =	sshrl.u32 s17, $0x2;
	v8 =	vld [tilespmem:s16+$0xFFFFFFC0];
	s20 =	sadd.s32 $0x80, s16;
	v7 =	vperm.xlane.i2c.b16 v0;
	v0 =	vperm.xlane.i2c.b16 v2  }
0x42: {  	s30 =	sand.u32 $0x20, s18;
	s31 =	sshrl.u32 s19, $0x1;
	s16 =	sor.u32 $0x1000, s17;
	v11 =	vld [tilespmem:s20+$0x30];
	v10 =	vperm.xlane.i2c.b16 v5;
	v13 =	vperm.xlane.i2c.b16 v6  }
0x43: {  	s17 =	sshrl.u32 s30, $0x1;
	s18 =	sadd.s32 s31, s16;
	v2 =	vld [tilespmem:s20+$0x20];
	v3 =	vperm.xlane.i2c.b16 v3;
	v9 =	vcombine.low v7, v1  }
0x44: {  	v12 =	vld [tilespmem:s20+$0xFFFFFFD0];
	s17 =	sadd.s32 s17, s18;
	v4 =	vperm.xlane.i2c.b16 v4;
	v14 =	vcombine.low v10, v13  }
0x45: {  	v1 =	vcombine.high v7, v1;
	v7 =	vld [tilespmem:s20+$0xFFFFFFE0];
	[tilespmem:s17+$0x630 ss:$0x21] =	vst.msk $0xffff, v9  }
0x46: {  	v6 =	vld [tilespmem:s20+$0xFFFFFFF0];
	v5 =	vperm.xlane.i2c.b16 v8;
	v9 =	vcombine.low v3, v4;
	[tilespmem:s17+$0x420 ss:$0x21] =	vst.msk $0xffff, v14  }
0x47: {  	s18 =	simm.s32 $0x4;
	v8 =	vperm.xlane.i2c.b16 v11;
	[tilespmem:s17+$0x631 ss:$0x21] =	vst.msk $0xffff, v1;
	v1 =	vcombine.high v3, v4;
	v4 =	vld [tilespmem:s20+$0x0]  }
0x48: {  	s19 =	simm.s32 $0x2;
	s22 =	sand.u32 $0x1C, s18;
	v10 =	vcombine.high v10, v13;
	v3 =	vld [tilespmem:s20+$0x10];
	[tilespmem:s17+$0x210 ss:$0x21] =	vst.msk $0xffff, v9;
	v9 =	vperm.xlane.i2c.b16 v2  }
0x49: {  	s21 =	sand.u32 $0x20, s18;
	s22 =	sshrl.u32 s22, $0x1;
	v11 =	vcombine.low v5, v0;
	v2 =	vld [tilespmem:s20+$0xFFFFFFC0];
	s20 =	sadd.s32 $0x80, s20;
	[tilespmem:s17+$0x211 ss:$0x21] =	vst.msk $0xffff, v1;
	v1 =	vperm.xlane.i2c.b16 v12  }
.LBB1_3:
0x4a: {  	v12 =	vld [tilespmem:s20+$0x20];
	s22 =	sadd.s32 s22, s16;
	s21 =	sshrl.u32 s21, $0x1;
	v13 =	vperm.xlane.i2c.b16 v7;
	v7 =	vcombine.low v9, v8;
	[tilespmem:s17+$0x421 ss:$0x21] =	vst.msk $0xffff, v10  }
0x4b: {  	s19 =	sadd.s32 $0x2, s19;
	v14 =	vld [tilespmem:s20+$0x30];
	s21 =	sadd.s32 s21, s22;
	v10 =	vperm.xlane.i2c.b16 v6;
	v6 =	vcombine.high v9, v8;
	[tilespmem:s17+$0x0 ss:$0x21] =	vst.msk $0xffff, v11  }
0x4c: {  	p1 =	slt.u32 s19, $0x1E;
	v11 =	vld [tilespmem:s20+$0xFFFFFFD0];
	v8 =	vperm.xlane.i2c.b16 v4;
	[tilespmem:s21+$0x630 ss:$0x21] =	vst.msk $0xffff, v7;
	v4 =	vcombine.high v5, v0;
	v0 =	vmov v1  }
.Ltmp3:
0x4d: {  	v7 =	vld [tilespmem:s20+$0xFFFFFFE0];
	v1 =	vcombine.low v13, v10;
	v3 =	vperm.xlane.i2c.b16 v3;
	[tilespmem:s21+$0x631 ss:$0x21] =	vst.msk $0xffff, v6;
	(pc) =	sbr.rel @p1 .LBB1_3-.Ltmp3, $4  }
0x4e: {  	v6 =	vld [tilespmem:s20+$0xFFFFFFF0];
	v5 =	vperm.xlane.i2c.b16 v2;
	v2 =	vcombine.high v13, v10;
	[tilespmem:s17+$0x1 ss:$0x21] =	vst.msk $0xffff, v4;
	s17 =	smov.u32 s21  }
0x4f: {  	s18 =	sadd.s32 $0x4, s18;
	v4 =	vld [tilespmem:s20+$0x0];
	[tilespmem:s17+$0x210 ss:$0x21] =	vst.msk $0xffff, v1;
	v13 =	vcombine.low v8, v3;
	v10 =	vcombine.high v8, v3  }
0x50: {  	s22 =	sand.u32 $0x1C, s18;
	v9 =	vperm.xlane.i2c.b16 v12;
	v3 =	vld [tilespmem:s20+$0x10];
	v8 =	vperm.xlane.i2c.b16 v14;
	[tilespmem:s17+$0x211 ss:$0x21] =	vst.msk $0xffff, v2  }
0x51: {  	s22 =	sshrl.u32 s22, $0x1;
	s21 =	sand.u32 $0x20, s18;
	v2 =	vld [tilespmem:s20+$0xFFFFFFC0];
	v1 =	vperm.xlane.i2c.b16 v11;
	s20 =	sadd.s32 $0x80, s20;
	v11 =	vcombine.low v5, v0;
	[tilespmem:s17+$0x420 ss:$0x21] =	vst.msk $0xffff, v13  }
0x52: {  	s18 =	sadd.s32 s22, s16;
	s19 =	sshll.u32 s9, $0x7;
	s20 =	sshll.u32 s10, $0x3  }
0x53: {  	s21 =	sshrl.u32 s21, $0x1;
	s24 =	sshll.u32 s10, $0x1;
	p1 =	sgt.s32 s9, $0xF41C0  }
0x54: {  	s22 =	smov.u32 s9;
	s26 =	sshra.s32 s9, $0x1F;
	s23 =	sand.u32 $0xFFFFFC00, s19  }
0x55: {  	s20 =	sand.u32 $0xFFFFFC00, s20;
	s19 =	sand.u32 $0x300, s19;
	s25 =	sand.u32 $0x80, s24  }
0x56: {  	s18 =	sadd.s32 s21, s18;
	s22 =	simm.s32 @!p1 $0xF41C0;
	p1 =	sgt.s32 s10, $0x60  }
0x57: {  	s21 =	smov.u32 s10;
	s20 =	sadd.s32 s20, s23;
	s23 =	sshra.s32 s10, $0x1F  }
0x58: {  	s21 =	simm.s32 @!p1 $0x60;
	s19 =	sor.u32 s19, s20;
	s20 =	sand.u32 s26, s9  }
0x59: {  	v7 =	vperm.xlane.i2c.b16 v7;
	[tilespmem:s17+$0x421 ss:$0x21] =	vst.msk $0xffff, v10;
	v0 =	vcombine.high v5, v0;
	s23 =	sand.u32 s23, s10;
	s19 =	sor.u32 s25, s19;
	s20 =	ssub.s32 s22, s20  }
0x5a: {  	v57 =	vcombine.low v9, v8;
	v6 =	vperm.xlane.i2c.b16 v6;
	[tilespmem:s17+$0x0 ss:$0x21] =	vst.msk $0xffff, v11;
	s21 =	ssub.s32 s21, s23;
	s19 =	sshrl.u32 s19, $0x7;
	s22 =	sadd.s32 $0xFFF0BE40, s20  }
0x5b: {  	v58 =	vcombine.high v9, v8;
	v4 =	vperm.xlane.i2c.b16 v4;
	[tilespmem:s17+$0x1 ss:$0x21] =	vst.msk $0xffff, v0;
	s23 =	sadd.s32 $0xFFFFFFA0, s21;
	s20 =	ssub.s32 $0xF4240, s20;
	s21 =	ssub.s32 $0x80, s21  }
0x5c: {  	[tilespmem:s18+$0x630 ss:$0x21] =	vst.msk $0xffff, v57;
	v59 =	vcombine.low v7, v6;
	v3 =	vperm.xlane.i2c.b16 v3;
	s27 =	smulhi.u32 $0x218DEF5, s19;
	p1 =	sgt.s32 s22, $0x7F;
	p2 =	sgt.s32 s23, $0x1F  }
0x5d: {  	[tilespmem:s18+$0x631 ss:$0x21] =	vst.msk $0xffff, v58;
	v60 =	vcombine.high v7, v6;
	s20 =	simm.s32 @p1 $0x0;
	s21 =	simm.s32 @p2 $0x0  }
0x5e: {  	v2 =	vperm.xlane.i2c.b16 v2;
	[tilespmem:s18+$0x210 ss:$0x21] =	vst.msk $0xffff, v59;
	v61 =	vcombine.low v4, v3;
	s17 =	sshrl.u32 s27, $0xD;
	s20 =	smul.u32 s21, s20  }
0x5f: {  	v3 =	vcombine.high v4, v3;
	[tilespmem:s18+$0x211 ss:$0x21] =	vst.msk $0xffff, v60;
	s17 =	smul.u32 $0xF4240, s17  }
.Ltmp4:
0x60: {  	s28 =	sshrl.u32 s10, $0x3;
	s29 =	sand.u32 $0x7, s10;
	v62 =	vcombine.low v2, v1;
	[tilespmem:s18+$0x420 ss:$0x21] =	vst.msk $0xffff, v61;
	(pc) =	sbr.rel .LBB1_5-.Ltmp4, $4  }
0x61: {  	v63 =	vcombine.high v2, v1;
	[tilespmem:s18+$0x421 ss:$0x21] =	vst.msk $0xffff, v3;
	s21 =	sshll.u32 s29, $0x12;
	s17 =	ssub.s32 s19, s17;
	s19 =	sand.u32 $0x7, s28  }
0x62: {  	[tilespmem:s18+$0x0 ss:$0x21] =	vst.msk $0xffff, v62;
	s20 =	sshrl.u32 s20, $0x1;
	s17 =	sshll.u32 s17, $0x3;
	s19 =	sadd.s32 s5, s19  }
0x63: {  	[tilespmem:s18+$0x1 ss:$0x21] =	vst.msk $0xffff, v63;
	s31 =	sor.u32 $0x20, s21;
	s30 =	sand.u32 $0x3FFFFFFF, s20;
	s17 =	sadd.s32 s17, s19  }
0x64: {  	[hbm4b:s17+s31] =	stream.strided.scatter [tilespmem:s16], [sflag:$0x2], s30, s8, s31, $0x10;
	[tilespmem:$0x2080] =	vst v63  }
.LBB1_6:
0x65: {  	_ =	sfence.sel $0x180000  }
0x66: {  	s2 =	simm.s32 $0x1;
	[bflag:$0x0] =	sbarrier.arrive $0xFFFF  }
0x67: {  	s31 =	simm.s32 $0x2;
	[sflag:s2] =	ssyncpa.u1 $0x1  }
0x68: {  	[sflag:s31] =	ssyncpa.u1 $0x1  }
0x69: {  	p0 =	sne.s32 s1, $0x0;
	_ =	strace $0x9000004A  }
0x6a: {  	s0 =	sadd.s32 @!p0 $0x100000, s0;
	[bflag:$0x2] =	sbarrier.arrive $0xFFFF  }
0x6b: {  	[sflag:s0] =	ssyncadd.tile.s32 @!p0 $0x1;
	_ =	shalt  }
.Lfunc_end1:
_tile_overlayer_lowered:
.L_overlay_start_2:
0x6c: {  	(tag) =	ssettag $0x2  }
0x6d: {  	s0 =	rddreg [dreg:$0x0];
	s2 =	stileid.u32  }
0x6e: {  	s1 =	rddreg [dreg:$0x1];
	p0 =	sne.s32 s2, $0x0  }
0x6f: {  	s3 =	rddreg [dreg:$0x2];
	[bflag:$0x3] =	sbarrier.arrive $0xFFFF;
	s2 =	simm.s32 @!p0 $0x1C01  }
0x70: {  	[timem:s3], [sflag:s2] =	dma.local @!p0 [hbm:s0], s1  }
0x71: {  	s0 =	simm.s32 @!p0 $0x1  }
0x72: {  	_ =	swait.ge @!p0 [sflag:s0], s1  }
0x73: {  	s1 =	ssub.s32 @!p0 $0x0, s1;
	[sflag:s0] =	ssyncset.done @!p0 $0x0  }
0x74: {  	[sflag:s0] =	ssyncadd.s32 @!p0 s1  }
0x75: {  	[bflag:$0x3] =	sbarrier.arrive $0xFFFF  }
0x76: {  	_ =	shalt  }

// kernel: sparse-core-data-format-call.cloned.1.call-start
scs
called_computation_lowered:
.L_overlay_start_0:
0x0: {  	s2 =	sld [smem:$0x3FD9]  }
0x1: {  	s3 =	sld [smem:$0x3FFE];
	_ =	sdelay $0x1  }
0x2: {  	s1 =	srdreg.scid  }
0x3: {  	s0 =	sand.u32 $0x1, s1  }
0x4: {  	s18 =	sshll.u32 s0, $0xA;
	s2 =	sadd.s32 s3, s2  }
0x5: {  	s2 =	sadd.s32 s2, s18  }
0x6: {  	[smem:$0x3FC4] =	sst s2  }
0x7: {  	_ = 	snop  }
0x8: {  	(tm) =	ssettm $0x1  }
0x9: {  	s19 =	sld [smem:$0x3FFB];
	_ =	sdelay $0x3  }
0xa: {  	_ =	strace s19  }
0xb: {  	s2 =	sld [smem:$0x3FFC];
	_ =	sdelay $0x3  }
0xc: {  	_ =	strace s2  }
0xd: {  	s2 =	sld [smem:$0x3FFD];
	_ =	sdelay $0x3  }
0xe: {  	_ =	strace s2  }
0xf: {  	_ =	strace $0x8FFFFFFF  }
0x10: {  	s20 =	sld [smem:$0x3FDB];
	_ =	sdelay $0x1  }
0x11: {  	s21 =	simm.s32 $_scs_section_size  }
0x12: {  	s4 =	simm.s32 $_size__tile_overlayer_lowered;
	s5 =	simm.s32 $_tile_overlayer_lowered  }
0x13: {  	s6 =	simm.s32 $0x1BFF;
	s22 =	sshll.u32 s5, $0x1;
	s3 =	sadd.s32 s21, s20  }
0x14: {  	s23 =	simm.s32 $0x0;
	s4 =	sshll.u32 s4, $0x1;
	s5 =	sadd.s32 s22, s3  }
0x15: {  	[timem:s23], [sflag:s6] =	dma.local [hbm:s5], s4  }
0x16: {  	_ =	swait.ge [sflag:s6], s4  }
0x17: {  	s4 =	ssub.s32 $0x0, s4;
	[sflag:s6] =	ssyncset.done $0x0  }
0x18: {  	[sflag:s6] =	ssyncadd.s32 s4;
	_ =	sdelay $0x1  }
0x19: {  	s24 =	simm.s32 $0x1B8B  }
0x1a: {  	_ =	swait.ge [sflag:s24], $0x1  }
0x1b: {  	[sflag:s24] =	ssyncset.done $0x0  }
0x1c: {  	[sflag:s24] =	ssyncadd.s32 $0xFFFFFFFF  }
0x1d: {  	s4 =	sld [smem:$0x0]  }
0x1e: {  	s5 =	sand.u32 $0xFFFFFFFE, s1  }
0x1f: {  	p0 =	sne.s32 s1, s5  }
0x20: {  	s5 =	sshll.u32 @p0 s5, $0xE  }
0x21: {  	s5 =	sadd.s32 @p0 $0x11B8D, s5;
	s6 =	sshll.u32 @p0 s4, $0x11  }
0x22: {  	s5 =	sor.u32 @p0 s6, s5  }
0x23: {  	[sflag:s5] =	ssyncadd.remote.s32 @p0 $0x1;
	_ =	sdelay $0x1  }
0x24: {  	s5 =	simm.s32 @p0 $0x1B8D  }
0x25: {  	_ =	swait.eq @p0 [sflag:s5], $0x1  }
0x26: {  	[sflag:s5] =	ssyncadd.s32 @p0 $0xFFFFFFFF  }
0x27: {  	s6 =	sshll.u32 @!p0 s1, $0xE  }
0x28: {  	s6 =	sor.u32 @!p0 $0x4000, s6;
	s5 =	simm.s32 @!p0 $0x1B8D  }
0x29: {  	s4 =	sshll.u32 @!p0 s4, $0x11;
	s6 =	sadd.s32 @!p0 $0x11B8D, s6;
	_ =	swait.eq @!p0 [sflag:s5], $0x1  }
0x2a: {  	s4 =	sor.u32 @!p0 s4, s6;
	[sflag:s5] =	ssyncadd.s32 @!p0 $0xFFFFFFFF  }
0x2b: {  	s26 =	simm.s32 $0x1B8E;
	s25 =	sld [smem:$0x3FFE];
	[sflag:s4] =	ssyncadd.remote.s32 @!p0 $0x1  }
0x2c: {  	s27 =	simm.s32 $execute0_lowered;
	[smem:$0x3FD2] =	sst s26  }
0x2d: {  	s5 =	sshll.u32 s27, $0x1;
	_ =	strace $0x8000004C;
	[dreg:$0x1] =	wrdreg $0xFFFFFFFF  }
0x2e: {  	s28 =	simm.s32 $_size_execute0_lowered;
	s3 =	sadd.s32 s3, s5;
	[dreg:$0x0] =	wrdreg $0x0  }
0x2f: {  	s5 =	sshll.u32 s28, $0x1;
	[dreg:$0x2] =	wrdreg s3  }
0x30: {  	[dreg:$0x3] =	wrdreg s5  }
0x31: {  	[dreg:$0x4] =	wrdreg $0xC0  }
0x32: {  	_ =	task [dreg:s23], $0x5FFFF  }
0x33: {  	[dreg:$0x1] =	wrdreg $0xFFFFFFFF  }
0x34: {  	[dreg:$0x0] =	wrdreg $0x60  }
0x35: {  	[dreg:$0x2] =	wrdreg s25  }
0x36: {  	[dreg:$0x3] =	wrdreg $0x9  }
0x37: {  	_ =	task.clear_ibuf [dreg:s23], $0x4FFFF;
	_ =	strace $0x9000004C  }
0x38: {  	s29 =	simm.s32 $0x9;
	_ =	strace $0x8000004E  }
0x39: {  	_ =	swait.ge [sflag:s29], $0x1  }
0x3a: {  	[sflag:s29] =	ssyncadd.s32 $0xFFFFFFFF  }
0x3b: {  	_ =	strace $0x9000004E  }
0x3c: {  	_ =	sfence  }
0x3d: {  	s30 =	sld [smem:$0x0];
	_ =	sdelay $0x2  }
0x3e: {  	s31 =	sshll.u32 s1, $0xD;
	s1 =	sshrl.u32 s1, $0x2  }
0x3f: {  	s4 =	sand.u32 $0x4000, s31;
	s1 =	sadd.s32 s1, s30  }
0x40: {  	s0 =	sor.u32 s4, s0;
	s1 =	sshll.u32 s1, $0x11  }
0x41: {  	s0 =	sor.u32 s1, s0  }
0x42: {  	s0 =	sadd.s32 $0x8F2B, s0  }
0x43: {  	[sflag:s0] =	ssyncadd.remote.s32 $0x1  }
0x44: {  	_ =	sfence.sel $0xFFFF  }
0x45: {  	[dreg:$0x0] =	wrdreg $0xFFFFFFFF;
	(pc) =	sbr.abs _section_cstart, $3  }
0x46: {  	[dreg:$0x1] =	wrdreg $0xFFFFFFFF  }
0x47: {  	_ =	task.clear_ibuf [dreg:s23], $0x2FFFF;
	_ =	strace $0x9FFFFFFF  }
0x48: {  	(tm) =	ssettm $0x7FFFFFFF  }
0x49: {  	_ =	shalt  }
tec
execute0_lowered:
.L_overlay_start_1:
0x0: {  	(tag) =	ssettag $0x1  }
0x1: {  	s0 =	srdreg.scid  }
0x2: {  	s5 =	rddreg [dreg:$0x0];
	s1 =	stileid.u32;
	s4 =	simm.s32 $0x1  }
0x3: {  	s6 =	simm.s32 $0x2;
	s8 =	simm.s32 $0x0;
	s2 =	sshll.u32 s0, $0x4  }
0x4: {  	s9 =	simm.s32 $0x0;
	s13 =	simm.s32 $0x0;
	s2 =	sand.u32 $0x10, s2  }
.Ltmp0:
0x5: {  	s10 =	simm.s32 $0x0;
	s3 =	sor.u32 s1, s2;
	(pc) =	sbr.rel .LBB1_1-.Ltmp0, $4  }
0x6: {  	s0 =	rddreg [dreg:$0x1];
	_ =	strace $0x8000004D;
	s3 =	sshll.u32 s3, $0x4  }
0x7: {  	s12 =	simm.s32 $0x0;
	[sflag:s4] =	ssyncpa.u1 $0x0;
	s7 =	ssub.s32 $0x3D00, s3  }
0x8: {  	s2 =	sadd.s32 $0x1E9A00, s5;
	[sflag:s6] =	ssyncpa.u1 $0x0;
	s6 =	sshrl.u32 s7, $0x9  }
0x9: {  	s5 =	sadd.s32 $0x1400, s5;
	s11 =	smov.u32 s3;
	s7 =	sadd.s32 $0x2, s6  }
.LBB1_7:
0xa: {  	s15 =	sshll.u32 s12, $0xF  }
0xb: {  	s15 =	sand.u32 $0x8000, s15  }
0xc: {  	s16 =	sshll.u32 s10, $0x7;
	s15 =	sshrl.u32 s15, $0x1  }
0xd: {  	s16 =	sadd.s32 s5, s16;
	s15 =	sor.u32 $0x8000, s15  }
0xe: {  	[hbm4b:s16+s8] =	stream.linear.scatter [tilespmem:s15], [sflag:$0x2], s14, $0x38;
	[tilespmem:$0x10000] =	vst v63  }
.LBB1_8:
0xf: {  	p0 =	slt.u32 s12, $0x2  }
0x10: {  	p1 =	sgt.s32 @!p0 s13, $0x3CF9  }
0x11: {  	s14 =	smov.u32 s13;
	s15 =	sshra.s32 @!p0 s13, $0x1F;
	p1 =	por !p1, p0  }
0x12: {  	s13 =	sand.u32 @!p0 s15, s13;
	s14 =	simm.s32 @p1 $0x3CF9  }
0x13: {  	s13 =	ssub.s32 @!p0 s14, s13  }
0x14: {  	s13 =	sadd.s32 @!p0 $0xFFFFC307, s13  }
0x15: {  	s14 =	sshll.u32 @!p0 s13, $0xC  }
0x16: {  	p1 =	sgt.s32 @!p0 s13, $0xF;
	s13 =	ssub.s32 @!p0 $0x10000, s14  }
0x17: {  	s15 =	sadd.s32 $0x200, s11;
	p1 =	por !p1, p0;
	s13 =	sshrl.u32 @!p0 s13, $0x2  }
0x18: {  	s13 =	simm.s32 @!p1 $0x0;
	p1 =	sgt.s32 s15, $0x3D08  }
0x19: {  	s15 =	smov.u32 @p1 s3;
	p1 =	sne.s32 s12, s7  }
.Ltmp1:
0x1a: {  	_ = 	snop;
	(pc) =	sbr.rel @!p1 .LBB1_9-.Ltmp1, $4  }
0x1b: {  	s14 =	simm.s32 @!p0 $0x2  }
0x1c: {  	s9 =	sadd.s32 $0x8000, s9;
	_ =	swait.ge @!p0 [sflag:s14], s13;
	s16 =	ssub.s32 @!p0 $0x0, s13  }
0x1d: {  	s13 =	smov.u32 s10;
	s12 =	sadd.s32 $0x1, s12;
	[sflag:s14] =	ssyncset.done @!p0 $0x0  }
0x1e: {  	s10 =	smov.u32 s11;
	s11 =	smov.u32 s15;
	[sflag:s14] =	ssyncadd.s32 @!p0 s16  }
.LBB1_1:
0x1f: {  	p0 =	sgt.u32 s12, s6  }
0x20: {  	p1 =	sgt.s32 @!p0 s11, $0x3CF9  }
0x21: {  	s14 =	smov.u32 s11;
	s15 =	sshra.s32 @!p0 s11, $0x1F;
	p1 =	por !p1, p0  }
0x22: {  	s15 =	sand.u32 @!p0 s15, s11;
	s14 =	simm.s32 @p1 $0x3CF9  }
0x23: {  	s14 =	ssub.s32 @!p0 s14, s15  }
0x24: {  	s14 =	sadd.s32 @!p0 $0xFFFFC307, s14  }
0x25: {  	s16 =	sshll.u32 @!p0 s11, $0x7;
	s17 =	simm.s32 @!p0 $0x0;
	s15 =	sshll.u32 @!p0 s14, $0xC  }
0x26: {  	p1 =	sgt.s32 @!p0 s14, $0xF;
	s14 =	ssub.s32 @!p0 $0x10000, s15;
	s15 =	sxor.u32 @!p0 $0xFFFFFFFF, s12  }
0x27: {  	p1 =	por !p1, p0;
	s14 =	sshrl.u32 @!p0 s14, $0x2;
	s15 =	sshll.u32 @!p0 s15, $0xE  }
0x28: {  	s16 =	sadd.s32 @!p0 s2, s16;
	s14 =	simm.s32 @!p1 $0x0;
	s15 =	sand.u32 @!p0 $0x4000, s15  }
0x29: {  	[tilespmem:s15], [sflag:$0x1] =	stream.linear.gather @!p0 [hbm4b:s16+s17], s14, $0x38;
	[tilespmem:$0x10000] =	vst v63  }
0x2a: {  	p0 =	seq.s32 s12, $0x0  }
0x2b: {  	p1 =	sge.u32 @!p0 s12, s7  }
0x2c: {  	p0 =	por p0, p1  }
.Ltmp2:
0x2d: {  	_ = 	snop;
	(pc) =	sbr.rel @p0 .LBB1_8-.Ltmp2, $1  }
0x2e: {  	_ =	sdelay $0x3  }
0x2f: {  	p0 =	sgt.s32 s10, $0x3CF9;
	s14 =	smov.u32 s10;
	s15 =	sshra.s32 s10, $0x1F  }
0x30: {  	s14 =	simm.s32 @!p0 $0x3CF9;
	s15 =	sand.u32 s15, s10  }
0x31: {  	s14 =	ssub.s32 s14, s15  }
0x32: {  	s16 =	sadd.s32 $0x10, s10;
	s14 =	sadd.s32 $0xFFFFC307, s14  }
0x33: {  	p1 =	slt.s32 s16, $0x3D09;
	s30 =	sshll.u32 s14, $0xC  }
0x34: {  	s16 =	simm.s32 @!p1 $0x3D09;
	s15 =	ssub.s32 $0x10000, s30  }
0x35: {  	p0 =	sgt.s32 s14, $0xF;
	s14 =	sshrl.u32 s15, $0x2;
	s15 =	ssub.s32 s16, s10  }
0x36: {  	s14 =	simm.s32 @p0 $0x0;
	p0 =	slt.s32 s15, $0x1  }
.Ltmp3:
0x37: {  	_ = 	snop;
	(pc) =	sbr.rel @p0 .LBB1_7-.Ltmp3, $4  }
0x38: {  	_ = 	snop  }
0x39: {  	_ =	swait.ge [sflag:s4], s14  }
0x3a: {  	s31 =	ssub.s32 $0x0, s14;
	[sflag:s4] =	ssyncset.done $0x0  }
0x3b: {  	[sflag:s4] =	ssyncadd.s32 s31  }
0x3c: {  	s16 =	sshrl.u32 s9, $0x1  }
0x3d: {  	s17 =	sand.u32 $0x4000, s16  }
0x3e: {  	s18 =	simm.s32 $0x0;
	s16 =	sor.u32 $0x200, s17;
	s17 =	sor.u32 $0x8080, s17  }
.LBB1_4:
0x3f: {  	v0 =	vld [tilespmem:s16+$0xFFFFFE70]  }
0x40: {  	v1 =	vld [tilespmem:s16+$0x70]  }
0x41: {  	v2 =	vld [tilespmem:s16+$0x0]  }
0x42: {  	v3 =	vld [tilespmem:s16+$0xFFFFFE10]  }
0x43: {  	v4 =	vld [tilespmem:s16+$0x10]  }
0x44: {  	v5 =	vld [tilespmem:s16+$0xFFFFFE20]  }
0x45: {  	v7 =	vld [tilespmem:s16+$0x20]  }
0x46: {  	v11 =	vld [tilespmem:s16+$0x30];
	v6 =	vunpack.i.l.s16.s32 v0;
	v8 =	vunpack.i.u.s16.s32 v0;
	v9 =	vunpack.i.u.s16.s32 v1  }
0x47: {  	v10 =	vunpack.i.l.s16.s32 v1;
	v0 =	vunpack.i.u.s16.s32 v2;
	v1 =	vunpack.i.l.s16.s32 v2;
	v2 =	vld [tilespmem:s16+$0xFFFFFE30]  }
0x48: {  	v8 =	vpack.i.b32.b16 v9, v8;
	v9 =	vunpack.i.u.s16.s32 v3;
	v3 =	vunpack.i.l.s16.s32 v3  }
0x49: {  	v12 =	vld [tilespmem:s16+$0xFFFFFE40];
	v6 =	vpack.i.b32.b16 v10, v6;
	[tilespmem:s17+$0x70] =	vst v8;
	v8 =	vunpack.i.u.s16.s32 v4;
	v4 =	vunpack.i.l.s16.s32 v4  }
0x4a: {  	v13 =	vld [tilespmem:s16+$0x40];
	v10 =	vunpack.i.u.s16.s32 v5;
	v5 =	vunpack.i.l.s16.s32 v5;
	[tilespmem:s17+$0xFFFFFFF0] =	vst v6;
	v3 =	vpack.i.b32.b16 v4, v3  }
0x4b: {  	v6 =	vunpack.i.l.s16.s32 v7;
	v4 =	vld [tilespmem:s16+$0xFFFFFE50];
	[tilespmem:s17+$0xFFFFFF90] =	vst v3;
	v3 =	vpack.i.b32.b16 v8, v9;
	v8 =	vunpack.i.u.s16.s32 v7  }
0x4c: {  	v7 =	vunpack.i.l.s16.s32 v11;
	[tilespmem:s17+$0x10] =	vst v3;
	v3 =	vpack.i.b32.b16 v6, v5;
	v9 =	vunpack.i.u.s16.s32 v2;
	v6 =	vld [tilespmem:s16+$0x50]  }
0x4d: {  	v5 =	vunpack.i.l.s16.s32 v2;
	v2 =	vld [tilespmem:s16+$0xFFFFFE60];
	[tilespmem:s17+$0xFFFFFFA0] =	vst v3;
	v3 =	vpack.i.b32.b16 v8, v10;
	v10 =	vunpack.i.u.s16.s32 v11  }
0x4e: {  	s21 =	simm.s32 $0x0;
	v11 =	vpack.i.b32.b16 v7, v5;
	v7 =	vunpack.i.u.s16.s32 v12;
	v8 =	vunpack.i.l.s16.s32 v12;
	[tilespmem:s17+$0x20] =	vst v3;
	v3 =	vld [tilespmem:s16+$0x60]  }
0x4f: {  	s22 =	sadd.s32 $0x80, s16;
	s20 =	smov.u32 s17;
	s19 =	smov.u32 s17;
	v5 =	vld [tilespmem:s16+$0xFFFFFE00];
	[tilespmem:s17+$0xFFFFFFB0] =	vst v11;
	v10 =	vpack.i.b32.b16 v10, v9;
	v9 =	vunpack.i.u.s16.s32 v13;
	v11 =	vunpack.i.l.s16.s32 v13  }
.LBB1_5:
0x50: {  	v12 =	vld [tilespmem:s22+$0xFFFFFE70];
	[tilespmem:s20+$0x30] =	vst v10;
	v8 =	vpack.i.b32.b16 v11, v8;
	v10 =	vunpack.i.u.s16.s32 v4;
	v4 =	vunpack.i.l.s16.s32 v4  }
0x51: {  	s21 =	sadd.s32 $0x2, s21;
	v7 =	vpack.i.b32.b16 v9, v7;
	v11 =	vld [tilespmem:s22+$0x70];
	[tilespmem:s20+$0xFFFFFFC0] =	vst v8;
	v8 =	vunpack.i.u.s16.s32 v6;
	v6 =	vunpack.i.l.s16.s32 v6  }
0x52: {  	p0 =	slt.u32 s21, $0x6;
	v9 =	vld [tilespmem:s22+$0x0];
	[tilespmem:s20+$0x40] =	vst v7;
	v4 =	vpack.i.b32.b16 v6, v4;
	v6 =	vunpack.i.u.s16.s32 v2;
	v2 =	vunpack.i.l.s16.s32 v2  }
0x53: {  	v7 =	vld [tilespmem:s22+$0xFFFFFE10];
	[tilespmem:s20+$0xFFFFFFD0] =	vst v4;
	v4 =	vpack.i.b32.b16 v8, v10;
	v8 =	vunpack.i.u.s16.s32 v3;
	v3 =	vunpack.i.l.s16.s32 v3  }
0x54: {  	v10 =	vld [tilespmem:s22+$0x10];
	v13 =	vunpack.i.u.s16.s32 v5;
	v5 =	vunpack.i.l.s16.s32 v5;
	[tilespmem:s20+$0x50] =	vst v4;
	v2 =	vpack.i.b32.b16 v3, v2  }
0x55: {  	v3 =	vld [tilespmem:s22+$0xFFFFFE20];
	v4 =	vunpack.i.l.s16.s32 v12;
	v1 =	vpack.i.b32.b16 v1, v5;
	v5 =	vpack.i.b32.b16 v0, v13;
	[tilespmem:s20+$0xFFFFFFE0] =	vst v2  }
0x56: {  	v12 =	vunpack.i.u.s16.s32 v12;
	v2 =	vld [tilespmem:s22+$0x20];
	v13 =	vunpack.i.u.s16.s32 v11;
	v11 =	vunpack.i.l.s16.s32 v11;
	[tilespmem:s20+$0xFFFFFF80] =	vst v1  }
0x57: {  	s20 =	sadd.s32 $0x100, s20;
	v0 =	vunpack.i.u.s16.s32 v9;
	v1 =	vunpack.i.l.s16.s32 v9;
	v9 =	vld [tilespmem:s22+$0xFFFFFE30];
	v12 =	vpack.i.b32.b16 v13, v12;
	[tilespmem:s19+$0x0] =	vst v5  }
0x58: {  	v6 =	vpack.i.b32.b16 v8, v6;
	v5 =	vunpack.i.u.s16.s32 v7;
	v7 =	vunpack.i.l.s16.s32 v7;
	v13 =	vld [tilespmem:s22+$0x30];
	[tilespmem:s20+$0x70] =	vst v12  }
0x59: {  	v4 =	vpack.i.b32.b16 v11, v4;
	v8 =	vunpack.i.u.s16.s32 v10;
	v10 =	vunpack.i.l.s16.s32 v10;
	v12 =	vld [tilespmem:s22+$0xFFFFFE40];
	[tilespmem:s19+$0x60] =	vst v6;
	s19 =	smov.u32 s20  }
0x5a: {  	v6 =	vpack.i.b32.b16 v10, v7;
	v7 =	vunpack.i.u.s16.s32 v3;
	v3 =	vunpack.i.l.s16.s32 v3;
	v11 =	vld [tilespmem:s22+$0x40];
	[tilespmem:s20+$0xFFFFFFF0] =	vst v4  }
.Ltmp4:
0x5b: {  	v5 =	vpack.i.b32.b16 v8, v5;
	[tilespmem:s20+$0xFFFFFF90] =	vst v6;
	v8 =	vunpack.i.u.s16.s32 v2;
	v2 =	vunpack.i.l.s16.s32 v2;
	v4 =	vld [tilespmem:s22+$0xFFFFFE50];
	(pc) =	sbr.rel @p0 .LBB1_5-.Ltmp4, $4  }
0x5c: {  	[tilespmem:s20+$0x10] =	vst v5;
	v2 =	vpack.i.b32.b16 v2, v3;
	v10 =	vunpack.i.u.s16.s32 v9;
	v3 =	vunpack.i.l.s16.s32 v9;
	v6 =	vld [tilespmem:s22+$0x50]  }
0x5d: {  	v5 =	vpack.i.b32.b16 v8, v7;
	[tilespmem:s20+$0xFFFFFFA0] =	vst v2;
	v9 =	vunpack.i.u.s16.s32 v13;
	v7 =	vunpack.i.l.s16.s32 v13;
	v2 =	vld [tilespmem:s22+$0xFFFFFE60]  }
0x5e: {  	[tilespmem:s20+$0x20] =	vst v5;
	v13 =	vpack.i.b32.b16 v7, v3;
	v7 =	vunpack.i.u.s16.s32 v12;
	v8 =	vunpack.i.l.s16.s32 v12;
	v3 =	vld [tilespmem:s22+$0x60]  }
0x5f: {  	v10 =	vpack.i.b32.b16 v9, v10;
	v5 =	vld [tilespmem:s22+$0xFFFFFE00];
	[tilespmem:s20+$0xFFFFFFB0] =	vst v13;
	v9 =	vunpack.i.u.s16.s32 v11;
	v11 =	vunpack.i.l.s16.s32 v11;
	s22 =	sadd.s32 $0x80, s22  }
0x60: {  	[tilespmem:s20+$0x30] =	vst v10;
	v8 =	vpack.i.b32.b16 v11, v8  }
0x61: {  	v51 =	vunpack.i.l.s16.s32 v4;
	v7 =	vpack.i.b32.b16 v9, v7;
	[tilespmem:s20+$0xFFFFFFC0] =	vst v8;
	v52 =	vunpack.i.l.s16.s32 v6  }
0x62: {  	v53 =	vunpack.i.u.s16.s32 v4;
	s18 =	sadd.s32 $0x1, s18;
	v54 =	vunpack.i.u.s16.s32 v6;
	[tilespmem:s20+$0x40] =	vst v7;
	v55 =	vpack.i.b32.b16 v52, v51  }
0x63: {  	p0 =	sne.s32 s18, s15;
	v56 =	vunpack.i.l.s16.s32 v2;
	v4 =	vpack.i.b32.b16 v54, v53;
	[tilespmem:s20+$0xFFFFFFD0] =	vst v55;
	v57 =	vunpack.i.l.s16.s32 v3  }
.Ltmp5:
0x64: {  	[tilespmem:s20+$0x50] =	vst v4;
	v58 =	vunpack.i.l.s16.s32 v5;
	v59 =	vpack.i.b32.b16 v57, v56;
	(pc) =	sbr.rel @p0 .LBB1_4-.Ltmp5, $4  }
.Ltmp6:
0x65: {  	v61 =	vunpack.i.u.s16.s32 v2;
	v62 =	vunpack.i.u.s16.s32 v3;
	v1 =	vpack.i.b32.b16 v1, v58;
	[tilespmem:s20+$0xFFFFFFE0] =	vst v59;
	(pc) =	sbr.rel @!p0 .LBB1_7-.Ltmp6, $4  }
0x66: {  	v60 =	vunpack.i.u.s16.s32 v5;
	v63 =	vpack.i.b32.b16 v62, v61;
	[tilespmem:s20+$0xFFFFFF80] =	vst v1  }
0x67: {  	v0 =	vpack.i.b32.b16 v0, v60;
	[tilespmem:s19+$0x60] =	vst v63  }
0x68: {  	s16 =	sadd.s32 $0x400, s16;
	s17 =	sadd.s32 $0x400, s17;
	[tilespmem:s19+$0x0] =	vst v0  }
0x69: {  	_ = 	snop  }
.LBB1_9:
0x6a: {  	_ =	sfence.sel $0x180000  }
0x6b: {  	s2 =	simm.s32 $0x1;
	[bflag:$0x0] =	sbarrier.arrive $0xFFFF  }
0x6c: {  	s31 =	simm.s32 $0x2;
	[sflag:s2] =	ssyncpa.u1 $0x1  }
0x6d: {  	[sflag:s31] =	ssyncpa.u1 $0x1  }
0x6e: {  	p0 =	sne.s32 s1, $0x0;
	_ =	strace $0x9000004D  }
0x6f: {  	s0 =	sadd.s32 @!p0 $0x100000, s0;
	[bflag:$0x2] =	sbarrier.arrive $0xFFFF  }
0x70: {  	[sflag:s0] =	ssyncadd.tile.s32 @!p0 $0x1;
	_ =	shalt  }
.Lfunc_end1:
_tile_overlayer_lowered:
.L_overlay_start_2:
0x71: {  	(tag) =	ssettag $0x2  }
0x72: {  	s0 =	rddreg [dreg:$0x0];
	s2 =	stileid.u32  }
0x73: {  	s1 =	rddreg [dreg:$0x1];
	p0 =	sne.s32 s2, $0x0  }
0x74: {  	s3 =	rddreg [dreg:$0x2];
	[bflag:$0x3] =	sbarrier.arrive $0xFFFF;
	s2 =	simm.s32 @!p0 $0x1C01  }
0x75: {  	[timem:s3], [sflag:s2] =	dma.local @!p0 [hbm:s0], s1  }
0x76: {  	s0 =	simm.s32 @!p0 $0x1  }
0x77: {  	_ =	swait.ge @!p0 [sflag:s0], s1  }
0x78: {  	s1 =	ssub.s32 @!p0 $0x0, s1;
	[sflag:s0] =	ssyncset.done @!p0 $0x0  }
0x79: {  	[sflag:s0] =	ssyncadd.s32 @!p0 s1  }
0x7a: {  	[bflag:$0x3] =	sbarrier.arrive $0xFFFF  }
0x7b: {  	_ =	shalt  }

</sc_bundles>
